<compile_context>
chip_gen: v7x
topology: tpu7x:2x2x1
jax: 0.10.2.dev20260603
libtpu: 0.0.44.dev20260713+nightly
codegen_flags: <defaults>
</compile_context>

<pallas_src>
import functools

import jax
import jax.numpy as jnp
from jax import lax
from jax.experimental import pallas as pl
from jax.experimental.pallas import tpu as pltpu
from jax.experimental.pallas import tpu_sc as plsc

RES = 128
D = 1024
NQ = 4
QW = D // NQ
B = 262144
L = 16
NC, NS = 2, 16
NW = NC * NS
PTS = B // NW
CH = 16
NCHUNK = PTS // CH
NJQ = QW // L

_mesh = plsc.VectorSubcoreMesh(core_axis_name="c", subcore_axis_name="s")


@functools.partial(
    pl.kernel,
    out_type=jax.ShapeDtypeStruct((B, D), jnp.float32),
    mesh=_mesh,
    scratch_types=(
        [pltpu.VMEM((PTS,), jnp.float32)] * 2
        + [pltpu.VMEM((4 * CH,), jnp.int32)] * 8
        + [pltpu.VMEM((4 * L,), jnp.float32)] * 2
        + [pltpu.VMEM((4 * CH, QW), jnp.float32)] * 4
        + [pltpu.VMEM((CH, D), jnp.float32)] * 2
        + [pltpu.SemaphoreType.DMA] * 5
    ),
)
def _dense_map_sc(xs_hbm, ys_hbm, table_hbm, out_hbm,
                  xs_v, ys_v, i00, i01, i10, i11, i20, i21, i30, i31,
                  w0b, w1b, r0, r1, r2, r3, out0, out1,
                  sg0, sg1, sg2, sg3, sem_w):
    idx = ((i00, i01), (i10, i11), (i20, i21), (i30, i31))
    wbuf = (w0b, w1b)
    outb = (out0, out1)
    rows = (r0, r1, r2, r3)
    sems = (sg0, sg1, sg2, sg3)
    wid = lax.axis_index("s") * NC + lax.axis_index("c")
    base = wid * PTS
    pltpu.sync_copy(xs_hbm.at[pl.ds(base, PTS)], xs_v)
    pltpu.sync_copy(ys_hbm.at[pl.ds(base, PTS)], ys_v)

    def stage_idx(c, par):
        off = c * CH
        x = xs_v[pl.ds(off, L)] * (RES - 1.0)
        y = ys_v[pl.ds(off, L)] * (RES - 1.0)
        xi = x.astype(jnp.int32)
        yi = y.astype(jnp.int32)
        xf = x - xi.astype(jnp.float32)
        yf = y - yi.astype(jnp.float32)
        cell4 = (xi * RES + yi) * NQ
        for k in range(NQ):
            idx[k][par][pl.ds(0, L)] = cell4 + k
            idx[k][par][pl.ds(L, L)] = cell4 + NQ * RES + k
            idx[k][par][pl.ds(2 * L, L)] = cell4 + NQ + k
            idx[k][par][pl.ds(3 * L, L)] = cell4 + NQ * RES + NQ + k
        wbuf[par][pl.ds(0, L)] = xf
        wbuf[par][pl.ds(L, L)] = yf

    stage_idx(0, 0)
    stage_idx(1, 1)
    for k in range(NQ):
        pltpu.async_copy(table_hbm.at[idx[k][0]], rows[k], sems[k])
        pltpu.async_copy(table_hbm.at[idx[k][1]], rows[k], sems[k])

    def body(i, _):
        for q in (0, 1):
            c = i * 2 + q
            @pl.when(c >= 2)
            def _():
                pltpu.make_async_copy(
                    outb[q], out_hbm.at[pl.ds(base, CH)], sem_w).wait()

            cn = jnp.where(c == NCHUNK - 1, 0, c + 1)
            stage_idx(cn, 1 - q)

            xfv = wbuf[q][pl.ds(0, L)]
            yfv = wbuf[q][pl.ds(L, L)]

            for k in range(NQ):
                pltpu.make_async_copy(
                    table_hbm.at[idx[k][q]], rows[k], sems[k]).wait()
                rh = rows[k]
                hoff = k * QW

                pltpu.async_copy(table_hbm.at[idx[k][1 - q]], rows[k], sems[k])

            pltpu.async_copy(outb[q], out_hbm.at[pl.ds(base + c * CH, CH)], sem_w)
        return 0

    lax.fori_loop(0, NCHUNK // 2, body, 0)

    for k in range(NQ):
        pltpu.make_async_copy(table_hbm.at[idx[k][0]], rows[k], sems[k]).wait()
        pltpu.make_async_copy(table_hbm.at[idx[k][0]], rows[k], sems[k]).wait()
    pltpu.make_async_copy(outb[0], out_hbm.at[pl.ds(base, CH)], sem_w).wait()
    pltpu.make_async_copy(outb[1], out_hbm.at[pl.ds(base, CH)], sem_w).wait()


def kernel(inputs, embeddings):
    xs = inputs[:, 0]
    ys = inputs[:, 1]
    table4 = embeddings.reshape(NQ * RES * RES, QW)
    return _dense_map_sc(xs, ys, table4)

# --- scband reference (transcript-rebuilt; emitter-appended) ---
"""Pipeline reference for scband-dense-map-36258113913067 (READ-ONLY COPY).

The authoritative reference and input builder live on the scoring server;
editing this copy changes nothing except your own understanding.
"""

import jax, jax.numpy as jnp
import numpy as np

RES = 128
FEAT = 8
MAPN = 128
BATCH = 262144


def _bin_mask():
    neigs = np.arange(4, dtype=np.int64).reshape((-1, 1))
    dims = np.arange(2, dtype=np.int64).reshape((1, -1))
    return jnp.asarray((neigs & (1 << dims)) == 0)


def setup_inputs(seed: int = 0) -> dict:
    key = jax.random.key(seed)
    k1, k2 = jax.random.split(key)
    inputs = jax.random.uniform(k1, (BATCH, 2), dtype=jnp.float32)
    rows = RES * RES
    cols = MAPN * FEAT
    a = float(np.sqrt(6.0 / (rows + cols)))
    embeddings = jax.random.uniform(k2, (rows, cols), minval=-a, maxval=a, dtype=jnp.float32)
    return {"inputs": inputs, "embeddings": embeddings}


def reference(inputs, embeddings):
    bin_mask = _bin_mask()
    x = inputs * (RES - 1)
    xi = x.astype(jnp.int32)
    xf = x - jax.lax.stop_gradient(xi.astype(jnp.float32))
    xi = xi[:, None, :]
    xf = xf[:, None, :]
    neigs = jnp.where(bin_mask, xi, xi + 1)
    ids = neigs[..., 0] * RES + neigs[..., 1]
    neigs_features = jnp.take(embeddings, ids, axis=0)
    weights = jnp.where(bin_mask, 1.0 - xf, xf)
    w = jnp.prod(weights, axis=-1, keepdims=True)
    feats = jnp.sum(neigs_features * w, axis=-2)
    return feats

if __name__ == "__main__":
    import jax
    _d = setup_inputs()
    print(jax.jit(kernel)(*tuple(_d.values())))

</pallas_src>

<mosaic_0001>
#map = affine_map<(d0, d1) -> (0)>
#map1 = affine_map<(d0, d1) -> (0, 0)>
module attributes {stable_mosaic.version = 14 : i64} {
  func.func @_dense_map_sc(%arg0: i32, %arg1: i32, %arg2: memref<262144xf32, #tpu.memory_space<hbm>>, %arg3: memref<262144xf32, #tpu.memory_space<hbm>>, %arg4: memref<65536x256xf32, #tpu.memory_space<hbm>>, %arg5: memref<262144x1024xf32, #tpu.memory_space<hbm>>, %arg6: memref<8192xf32, #tpu.memory_space<vmem>>, %arg7: memref<8192xf32, #tpu.memory_space<vmem>>, %arg8: memref<64xi32, #tpu.memory_space<vmem>>, %arg9: memref<64xi32, #tpu.memory_space<vmem>>, %arg10: memref<64xi32, #tpu.memory_space<vmem>>, %arg11: memref<64xi32, #tpu.memory_space<vmem>>, %arg12: memref<64xi32, #tpu.memory_space<vmem>>, %arg13: memref<64xi32, #tpu.memory_space<vmem>>, %arg14: memref<64xi32, #tpu.memory_space<vmem>>, %arg15: memref<64xi32, #tpu.memory_space<vmem>>, %arg16: memref<64xf32, #tpu.memory_space<vmem>>, %arg17: memref<64xf32, #tpu.memory_space<vmem>>, %arg18: memref<64x256xf32, #tpu.memory_space<vmem>>, %arg19: memref<64x256xf32, #tpu.memory_space<vmem>>, %arg20: memref<64x256xf32, #tpu.memory_space<vmem>>, %arg21: memref<64x256xf32, #tpu.memory_space<vmem>>, %arg22: memref<16x1024xf32, #tpu.memory_space<vmem>>, %arg23: memref<16x1024xf32, #tpu.memory_space<vmem>>, %arg24: memref<!tpu.dma_semaphore, #tpu.memory_space<semaphore_mem>>, %arg25: memref<!tpu.dma_semaphore, #tpu.memory_space<semaphore_mem>>, %arg26: memref<!tpu.dma_semaphore, #tpu.memory_space<semaphore_mem>>, %arg27: memref<!tpu.dma_semaphore, #tpu.memory_space<semaphore_mem>>, %arg28: memref<!tpu.dma_semaphore, #tpu.memory_space<semaphore_mem>>) attributes {dimension_semantics = [#tpu.dimension_semantics<core_parallel>, #tpu.dimension_semantics<subcore_parallel>], iteration_bounds = array<i64: 2, 16>, scalar_prefetch = 0 : i64, scratch_operands = 23 : i64, tpu.core_type = #tpu.core_type<sc_vector_subcore>, window_params = [{transform_indices = #map}, {transform_indices = #map}, {transform_indices = #map1}, {transform_indices = #map1}]} {
    %mul3A = arith.constant 2 : i32
    %mul3A_0 = arith.muli %arg1, %mul3A : i32
    %add3A = arith.addi %mul3A_0, %arg0 : i32
    %mul3A_1 = arith.constant 8192 : i32
    %mul3A_2 = arith.muli %add3A, %mul3A_1 : i32
    "tpu.region"() ({
      %run_scoped3A = tpu.sem_alloc : memref<!tpu.dma_semaphore, #tpu.memory_space<semaphore_mem>>
      %dma_start3A_445 = tpu.memref_slice %arg2[%mul3A_2] : memref<262144xf32, #tpu.memory_space<hbm>> -> memref<8192xf32, #tpu.memory_space<hbm>>
      %dma_start3A_446 = tpu.memref_slice %arg2[%mul3A_2] : memref<262144xf32, #tpu.memory_space<hbm>> -> memref<8192xf32, #tpu.memory_space<hbm>>
      tpu.enqueue_dma source(%dma_start3A_446 : memref<8192xf32, #tpu.memory_space<hbm>>) target(%arg6 : memref<8192xf32, #tpu.memory_space<vmem>>) target_semaphore(%run_scoped3A : memref<!tpu.dma_semaphore, #tpu.memory_space<semaphore_mem>>)
      %dma_wait3A_447 = tpu.memref_slice %arg2[%mul3A_2] : memref<262144xf32, #tpu.memory_space<hbm>> -> memref<8192xf32, #tpu.memory_space<hbm>>
      %dma_wait3A_448 = tpu.memref_slice %arg2[%mul3A_2] : memref<262144xf32, #tpu.memory_space<hbm>> -> memref<8192xf32, #tpu.memory_space<hbm>>
      tpu.wait_dma2 semaphore(%run_scoped3A : memref<!tpu.dma_semaphore, #tpu.memory_space<semaphore_mem>>) src(%dma_wait3A_448 : memref<8192xf32, #tpu.memory_space<hbm>>) dst(%arg6 : memref<8192xf32, #tpu.memory_space<vmem>>)
      tpu.yield
    }) : () -> ()
    "tpu.region"() ({
      %run_scoped3A = tpu.sem_alloc : memref<!tpu.dma_semaphore, #tpu.memory_space<semaphore_mem>>
      %dma_start3A_445 = tpu.memref_slice %arg3[%mul3A_2] : memref<262144xf32, #tpu.memory_space<hbm>> -> memref<8192xf32, #tpu.memory_space<hbm>>
      %dma_start3A_446 = tpu.memref_slice %arg3[%mul3A_2] : memref<262144xf32, #tpu.memory_space<hbm>> -> memref<8192xf32, #tpu.memory_space<hbm>>
      tpu.enqueue_dma source(%dma_start3A_446 : memref<8192xf32, #tpu.memory_space<hbm>>) target(%arg7 : memref<8192xf32, #tpu.memory_space<vmem>>) target_semaphore(%run_scoped3A : memref<!tpu.dma_semaphore, #tpu.memory_space<semaphore_mem>>)
      %dma_wait3A_447 = tpu.memref_slice %arg3[%mul3A_2] : memref<262144xf32, #tpu.memory_space<hbm>> -> memref<8192xf32, #tpu.memory_space<hbm>>
      %dma_wait3A_448 = tpu.memref_slice %arg3[%mul3A_2] : memref<262144xf32, #tpu.memory_space<hbm>> -> memref<8192xf32, #tpu.memory_space<hbm>>
      tpu.wait_dma2 semaphore(%run_scoped3A : memref<!tpu.dma_semaphore, #tpu.memory_space<semaphore_mem>>) src(%dma_wait3A_448 : memref<8192xf32, #tpu.memory_space<hbm>>) dst(%arg7 : memref<8192xf32, #tpu.memory_space<vmem>>)
      tpu.yield
    }) : () -> ()
    %get3A = arith.constant 0 : index
    %get3A_3 = tpu.vector_load %arg6[%get3A] {strides = array<i32>} : memref<8192xf32, #tpu.memory_space<vmem>>, vector<16xf32>,
    %get3A_4 = vector.shape_cast %get3A_3 : vector<16xf32> to vector<16xf32>
    %mul3A_5 = arith.constant 1.270000e+02 : f32
    %mul3A_6 = vector.broadcast %mul3A_5 : f32 to vector<16xf32>
    %mul3A_7 = arith.mulf %get3A_4, %mul3A_6 : vector<16xf32>
    %get3A_8 = arith.constant 0 : index
    %get3A_9 = tpu.vector_load %arg7[%get3A_8] {strides = array<i32>} : memref<8192xf32, #tpu.memory_space<vmem>>, vector<16xf32>,
    %get3A_10 = vector.shape_cast %get3A_9 : vector<16xf32> to vector<16xf32>
    %mul3A_11 = arith.constant 1.270000e+02 : f32
    %mul3A_12 = vector.broadcast %mul3A_11 : f32 to vector<16xf32>
    %mul3A_13 = arith.mulf %get3A_10, %mul3A_12 : vector<16xf32>
    %convert_element_type3A = arith.fptosi %mul3A_7 : vector<16xf32> to vector<16xi32>
    %convert_element_type3A_14 = arith.fptosi %mul3A_13 : vector<16xf32> to vector<16xi32>
    %convert_element_type3A_15 = arith.sitofp %convert_element_type3A : vector<16xi32> to vector<16xf32>
    %sub3A = arith.subf %mul3A_7, %convert_element_type3A_15 : vector<16xf32>
    %convert_element_type3A_16 = arith.sitofp %convert_element_type3A_14 : vector<16xi32> to vector<16xf32>
    %sub3A_17 = arith.subf %mul3A_13, %convert_element_type3A_16 : vector<16xf32>
    %mul3A_18 = arith.constant 128 : i32
    %mul3A_19 = vector.broadcast %mul3A_18 : i32 to vector<16xi32>
    %mul3A_20 = arith.muli %convert_element_type3A, %mul3A_19 : vector<16xi32>
    %add3A_21 = arith.addi %mul3A_20, %convert_element_type3A_14 : vector<16xi32>
    %mul3A_22 = arith.constant 4 : i32
    %mul3A_23 = vector.broadcast %mul3A_22 : i32 to vector<16xi32>
    %mul3A_24 = arith.muli %add3A_21, %mul3A_23 : vector<16xi32>
    %add3A_25 = arith.constant 0 : i32
    %add3A_26 = vector.broadcast %add3A_25 : i32 to vector<16xi32>
    %add3A_27 = arith.addi %mul3A_24, %add3A_26 : vector<16xi32>
    %swap3A = arith.constant 0 : index
    %swap3A_28 = tpu.vector_load %arg8[%swap3A] {strides = array<i32>} : memref<64xi32, #tpu.memory_space<vmem>>, vector<16xi32>,
    %swap3A_29 = vector.shape_cast %swap3A_28 : vector<16xi32> to vector<16xi32>
    %swap3A_30 = vector.shape_cast %add3A_27 : vector<16xi32> to vector<16xi32>
    tpu.vector_store %arg8[%swap3A], %swap3A_30 {strides = array<i32>} : memref<64xi32, #tpu.memory_space<vmem>>, vector<16xi32>,
    %add3A_31 = arith.constant 512 : i32
    %add3A_32 = vector.broadcast %add3A_31 : i32 to vector<16xi32>
    %add3A_33 = arith.addi %mul3A_24, %add3A_32 : vector<16xi32>
    %add3A_34 = arith.constant 0 : i32
    %add3A_35 = vector.broadcast %add3A_34 : i32 to vector<16xi32>
    %add3A_36 = arith.addi %add3A_33, %add3A_35 : vector<16xi32>
    %swap3A_37 = arith.constant 16 : index
    %swap3A_38 = tpu.vector_load %arg8[%swap3A_37] {strides = array<i32>} : memref<64xi32, #tpu.memory_space<vmem>>, vector<16xi32>,
    %swap3A_39 = vector.shape_cast %swap3A_38 : vector<16xi32> to vector<16xi32>
    %swap3A_40 = vector.shape_cast %add3A_36 : vector<16xi32> to vector<16xi32>
    tpu.vector_store %arg8[%swap3A_37], %swap3A_40 {strides = array<i32>} : memref<64xi32, #tpu.memory_space<vmem>>, vector<16xi32>,
    %add3A_41 = arith.constant 4 : i32
    %add3A_42 = vector.broadcast %add3A_41 : i32 to vector<16xi32>
    %add3A_43 = arith.addi %mul3A_24, %add3A_42 : vector<16xi32>
    %add3A_44 = arith.constant 0 : i32
    %add3A_45 = vector.broadcast %add3A_44 : i32 to vector<16xi32>
    %add3A_46 = arith.addi %add3A_43, %add3A_45 : vector<16xi32>
    %swap3A_47 = arith.constant 32 : index
    %swap3A_48 = tpu.vector_load %arg8[%swap3A_47] {strides = array<i32>} : memref<64xi32, #tpu.memory_space<vmem>>, vector<16xi32>,
    %swap3A_49 = vector.shape_cast %swap3A_48 : vector<16xi32> to vector<16xi32>
    %swap3A_50 = vector.shape_cast %add3A_46 : vector<16xi32> to vector<16xi32>
    tpu.vector_store %arg8[%swap3A_47], %swap3A_50 {strides = array<i32>} : memref<64xi32, #tpu.memory_space<vmem>>, vector<16xi32>,
    %add3A_51 = arith.constant 512 : i32
    %add3A_52 = vector.broadcast %add3A_51 : i32 to vector<16xi32>
    %add3A_53 = arith.addi %mul3A_24, %add3A_52 : vector<16xi32>
    %add3A_54 = arith.constant 4 : i32
    %add3A_55 = vector.broadcast %add3A_54 : i32 to vector<16xi32>
    %add3A_56 = arith.addi %add3A_53, %add3A_55 : vector<16xi32>
    %add3A_57 = arith.constant 0 : i32
    %add3A_58 = vector.broadcast %add3A_57 : i32 to vector<16xi32>
    %add3A_59 = arith.addi %add3A_56, %add3A_58 : vector<16xi32>
    %swap3A_60 = arith.constant 48 : index
    %swap3A_61 = tpu.vector_load %arg8[%swap3A_60] {strides = array<i32>} : memref<64xi32, #tpu.memory_space<vmem>>, vector<16xi32>,
    %swap3A_62 = vector.shape_cast %swap3A_61 : vector<16xi32> to vector<16xi32>
    %swap3A_63 = vector.shape_cast %add3A_59 : vector<16xi32> to vector<16xi32>
    tpu.vector_store %arg8[%swap3A_60], %swap3A_63 {strides = array<i32>} : memref<64xi32, #tpu.memory_space<vmem>>, vector<16xi32>,
    %add3A_64 = arith.constant 1 : i32
    %add3A_65 = vector.broadcast %add3A_64 : i32 to vector<16xi32>
    %add3A_66 = arith.addi %mul3A_24, %add3A_65 : vector<16xi32>
    %swap3A_67 = arith.constant 0 : index
    %swap3A_68 = tpu.vector_load %arg10[%swap3A_67] {strides = array<i32>} : memref<64xi32, #tpu.memory_space<vmem>>, vector<16xi32>,
    %swap3A_69 = vector.shape_cast %swap3A_68 : vector<16xi32> to vector<16xi32>
    %swap3A_70 = vector.shape_cast %add3A_66 : vector<16xi32> to vector<16xi32>
    tpu.vector_store %arg10[%swap3A_67], %swap3A_70 {strides = array<i32>} : memref<64xi32, #tpu.memory_space<vmem>>, vector<16xi32>,
    %add3A_71 = arith.constant 512 : i32
    %add3A_72 = vector.broadcast %add3A_71 : i32 to vector<16xi32>
    %add3A_73 = arith.addi %mul3A_24, %add3A_72 : vector<16xi32>
    %add3A_74 = arith.constant 1 : i32
    %add3A_75 = vector.broadcast %add3A_74 : i32 to vector<16xi32>
    %add3A_76 = arith.addi %add3A_73, %add3A_75 : vector<16xi32>
    %swap3A_77 = arith.constant 16 : index
    %swap3A_78 = tpu.vector_load %arg10[%swap3A_77] {strides = array<i32>} : memref<64xi32, #tpu.memory_space<vmem>>, vector<16xi32>,
    %swap3A_79 = vector.shape_cast %swap3A_78 : vector<16xi32> to vector<16xi32>
    %swap3A_80 = vector.shape_cast %add3A_76 : vector<16xi32> to vector<16xi32>
    tpu.vector_store %arg10[%swap3A_77], %swap3A_80 {strides = array<i32>} : memref<64xi32, #tpu.memory_space<vmem>>, vector<16xi32>,
    %add3A_81 = arith.constant 4 : i32
    %add3A_82 = vector.broadcast %add3A_81 : i32 to vector<16xi32>
    %add3A_83 = arith.addi %mul3A_24, %add3A_82 : vector<16xi32>
    %add3A_84 = arith.constant 1 : i32
    %add3A_85 = vector.broadcast %add3A_84 : i32 to vector<16xi32>
    %add3A_86 = arith.addi %add3A_83, %add3A_85 : vector<16xi32>
    %swap3A_87 = arith.constant 32 : index
    %swap3A_88 = tpu.vector_load %arg10[%swap3A_87] {strides = array<i32>} : memref<64xi32, #tpu.memory_space<vmem>>, vector<16xi32>,
    %swap3A_89 = vector.shape_cast %swap3A_88 : vector<16xi32> to vector<16xi32>
    %swap3A_90 = vector.shape_cast %add3A_86 : vector<16xi32> to vector<16xi32>
    tpu.vector_store %arg10[%swap3A_87], %swap3A_90 {strides = array<i32>} : memref<64xi32, #tpu.memory_space<vmem>>, vector<16xi32>,
    %add3A_91 = arith.constant 512 : i32
    %add3A_92 = vector.broadcast %add3A_91 : i32 to vector<16xi32>
    %add3A_93 = arith.addi %mul3A_24, %add3A_92 : vector<16xi32>
    %add3A_94 = arith.constant 4 : i32
    %add3A_95 = vector.broadcast %add3A_94 : i32 to vector<16xi32>
    %add3A_96 = arith.addi %add3A_93, %add3A_95 : vector<16xi32>
    %add3A_97 = arith.constant 1 : i32
    %add3A_98 = vector.broadcast %add3A_97 : i32 to vector<16xi32>
    %add3A_99 = arith.addi %add3A_96, %add3A_98 : vector<16xi32>
    %swap3A_100 = arith.constant 48 : index
    %swap3A_101 = tpu.vector_load %arg10[%swap3A_100] {strides = array<i32>} : memref<64xi32, #tpu.memory_space<vmem>>, vector<16xi32>,
    %swap3A_102 = vector.shape_cast %swap3A_101 : vector<16xi32> to vector<16xi32>
    %swap3A_103 = vector.shape_cast %add3A_99 : vector<16xi32> to vector<16xi32>
    tpu.vector_store %arg10[%swap3A_100], %swap3A_103 {strides = array<i32>} : memref<64xi32, #tpu.memory_space<vmem>>, vector<16xi32>,
    %add3A_104 = arith.constant 2 : i32
    %add3A_105 = vector.broadcast %add3A_104 : i32 to vector<16xi32>
    %add3A_106 = arith.addi %mul3A_24, %add3A_105 : vector<16xi32>
    %swap3A_107 = arith.constant 0 : index
    %swap3A_108 = tpu.vector_load %arg12[%swap3A_107] {strides = array<i32>} : memref<64xi32, #tpu.memory_space<vmem>>, vector<16xi32>,
    %swap3A_109 = vector.shape_cast %swap3A_108 : vector<16xi32> to vector<16xi32>
    %swap3A_110 = vector.shape_cast %add3A_106 : vector<16xi32> to vector<16xi32>
    tpu.vector_store %arg12[%swap3A_107], %swap3A_110 {strides = array<i32>} : memref<64xi32, #tpu.memory_space<vmem>>, vector<16xi32>,
    %add3A_111 = arith.constant 512 : i32
    %add3A_112 = vector.broadcast %add3A_111 : i32 to vector<16xi32>
    %add3A_113 = arith.addi %mul3A_24, %add3A_112 : vector<16xi32>
    %add3A_114 = arith.constant 2 : i32
    %add3A_115 = vector.broadcast %add3A_114 : i32 to vector<16xi32>
    %add3A_116 = arith.addi %add3A_113, %add3A_115 : vector<16xi32>
    %swap3A_117 = arith.constant 16 : index
    %swap3A_118 = tpu.vector_load %arg12[%swap3A_117] {strides = array<i32>} : memref<64xi32, #tpu.memory_space<vmem>>, vector<16xi32>,
    %swap3A_119 = vector.shape_cast %swap3A_118 : vector<16xi32> to vector<16xi32>
    %swap3A_120 = vector.shape_cast %add3A_116 : vector<16xi32> to vector<16xi32>
    tpu.vector_store %arg12[%swap3A_117], %swap3A_120 {strides = array<i32>} : memref<64xi32, #tpu.memory_space<vmem>>, vector<16xi32>,
    %add3A_121 = arith.constant 4 : i32
    %add3A_122 = vector.broadcast %add3A_121 : i32 to vector<16xi32>
    %add3A_123 = arith.addi %mul3A_24, %add3A_122 : vector<16xi32>
    %add3A_124 = arith.constant 2 : i32
    %add3A_125 = vector.broadcast %add3A_124 : i32 to vector<16xi32>
    %add3A_126 = arith.addi %add3A_123, %add3A_125 : vector<16xi32>
    %swap3A_127 = arith.constant 32 : index
    %swap3A_128 = tpu.vector_load %arg12[%swap3A_127] {strides = array<i32>} : memref<64xi32, #tpu.memory_space<vmem>>, vector<16xi32>,
    %swap3A_129 = vector.shape_cast %swap3A_128 : vector<16xi32> to vector<16xi32>
    %swap3A_130 = vector.shape_cast %add3A_126 : vector<16xi32> to vector<16xi32>
    tpu.vector_store %arg12[%swap3A_127], %swap3A_130 {strides = array<i32>} : memref<64xi32, #tpu.memory_space<vmem>>, vector<16xi32>,
    %add3A_131 = arith.constant 512 : i32
    %add3A_132 = vector.broadcast %add3A_131 : i32 to vector<16xi32>
    %add3A_133 = arith.addi %mul3A_24, %add3A_132 : vector<16xi32>
    %add3A_134 = arith.constant 4 : i32
    %add3A_135 = vector.broadcast %add3A_134 : i32 to vector<16xi32>
    %add3A_136 = arith.addi %add3A_133, %add3A_135 : vector<16xi32>
    %add3A_137 = arith.constant 2 : i32
    %add3A_138 = vector.broadcast %add3A_137 : i32 to vector<16xi32>
    %add3A_139 = arith.addi %add3A_136, %add3A_138 : vector<16xi32>
    %swap3A_140 = arith.constant 48 : index
    %swap3A_141 = tpu.vector_load %arg12[%swap3A_140] {strides = array<i32>} : memref<64xi32, #tpu.memory_space<vmem>>, vector<16xi32>,
    %swap3A_142 = vector.shape_cast %swap3A_141 : vector<16xi32> to vector<16xi32>
    %swap3A_143 = vector.shape_cast %add3A_139 : vector<16xi32> to vector<16xi32>
    tpu.vector_store %arg12[%swap3A_140], %swap3A_143 {strides = array<i32>} : memref<64xi32, #tpu.memory_space<vmem>>, vector<16xi32>,
    %add3A_144 = arith.constant 3 : i32
    %add3A_145 = vector.broadcast %add3A_144 : i32 to vector<16xi32>
    %add3A_146 = arith.addi %mul3A_24, %add3A_145 : vector<16xi32>
    %swap3A_147 = arith.constant 0 : index
    %swap3A_148 = tpu.vector_load %arg14[%swap3A_147] {strides = array<i32>} : memref<64xi32, #tpu.memory_space<vmem>>, vector<16xi32>,
    %swap3A_149 = vector.shape_cast %swap3A_148 : vector<16xi32> to vector<16xi32>
    %swap3A_150 = vector.shape_cast %add3A_146 : vector<16xi32> to vector<16xi32>
    tpu.vector_store %arg14[%swap3A_147], %swap3A_150 {strides = array<i32>} : memref<64xi32, #tpu.memory_space<vmem>>, vector<16xi32>,
    %add3A_151 = arith.constant 512 : i32
    %add3A_152 = vector.broadcast %add3A_151 : i32 to vector<16xi32>
    %add3A_153 = arith.addi %mul3A_24, %add3A_152 : vector<16xi32>
    %add3A_154 = arith.constant 3 : i32
    %add3A_155 = vector.broadcast %add3A_154 : i32 to vector<16xi32>
    %add3A_156 = arith.addi %add3A_153, %add3A_155 : vector<16xi32>
    %swap3A_157 = arith.constant 16 : index
    %swap3A_158 = tpu.vector_load %arg14[%swap3A_157] {strides = array<i32>} : memref<64xi32, #tpu.memory_space<vmem>>, vector<16xi32>,
    %swap3A_159 = vector.shape_cast %swap3A_158 : vector<16xi32> to vector<16xi32>
    %swap3A_160 = vector.shape_cast %add3A_156 : vector<16xi32> to vector<16xi32>
    tpu.vector_store %arg14[%swap3A_157], %swap3A_160 {strides = array<i32>} : memref<64xi32, #tpu.memory_space<vmem>>, vector<16xi32>,
    %add3A_161 = arith.constant 4 : i32
    %add3A_162 = vector.broadcast %add3A_161 : i32 to vector<16xi32>
    %add3A_163 = arith.addi %mul3A_24, %add3A_162 : vector<16xi32>
    %add3A_164 = arith.constant 3 : i32
    %add3A_165 = vector.broadcast %add3A_164 : i32 to vector<16xi32>
    %add3A_166 = arith.addi %add3A_163, %add3A_165 : vector<16xi32>
    %swap3A_167 = arith.constant 32 : index
    %swap3A_168 = tpu.vector_load %arg14[%swap3A_167] {strides = array<i32>} : memref<64xi32, #tpu.memory_space<vmem>>, vector<16xi32>,
    %swap3A_169 = vector.shape_cast %swap3A_168 : vector<16xi32> to vector<16xi32>
    %swap3A_170 = vector.shape_cast %add3A_166 : vector<16xi32> to vector<16xi32>
    tpu.vector_store %arg14[%swap3A_167], %swap3A_170 {strides = array<i32>} : memref<64xi32, #tpu.memory_space<vmem>>, vector<16xi32>,
    %add3A_171 = arith.constant 512 : i32
    %add3A_172 = vector.broadcast %add3A_171 : i32 to vector<16xi32>
    %add3A_173 = arith.addi %mul3A_24, %add3A_172 : vector<16xi32>
    %add3A_174 = arith.constant 4 : i32
    %add3A_175 = vector.broadcast %add3A_174 : i32 to vector<16xi32>
    %add3A_176 = arith.addi %add3A_173, %add3A_175 : vector<16xi32>
    %add3A_177 = arith.constant 3 : i32
    %add3A_178 = vector.broadcast %add3A_177 : i32 to vector<16xi32>
    %add3A_179 = arith.addi %add3A_176, %add3A_178 : vector<16xi32>
    %swap3A_180 = arith.constant 48 : index
    %swap3A_181 = tpu.vector_load %arg14[%swap3A_180] {strides = array<i32>} : memref<64xi32, #tpu.memory_space<vmem>>, vector<16xi32>,
    %swap3A_182 = vector.shape_cast %swap3A_181 : vector<16xi32> to vector<16xi32>
    %swap3A_183 = vector.shape_cast %add3A_179 : vector<16xi32> to vector<16xi32>
    tpu.vector_store %arg14[%swap3A_180], %swap3A_183 {strides = array<i32>} : memref<64xi32, #tpu.memory_space<vmem>>, vector<16xi32>,
    %swap3A_184 = arith.constant 0 : index
    %swap3A_185 = tpu.vector_load %arg16[%swap3A_184] {strides = array<i32>} : memref<64xf32, #tpu.memory_space<vmem>>, vector<16xf32>,
    %swap3A_186 = vector.shape_cast %swap3A_185 : vector<16xf32> to vector<16xf32>
    %swap3A_187 = vector.shape_cast %sub3A : vector<16xf32> to vector<16xf32>
    tpu.vector_store %arg16[%swap3A_184], %swap3A_187 {strides = array<i32>} : memref<64xf32, #tpu.memory_space<vmem>>, vector<16xf32>,
    %swap3A_188 = arith.constant 16 : index
    %swap3A_189 = tpu.vector_load %arg16[%swap3A_188] {strides = array<i32>} : memref<64xf32, #tpu.memory_space<vmem>>, vector<16xf32>,
    %swap3A_190 = vector.shape_cast %swap3A_189 : vector<16xf32> to vector<16xf32>
    %swap3A_191 = vector.shape_cast %sub3A_17 : vector<16xf32> to vector<16xf32>
    tpu.vector_store %arg16[%swap3A_188], %swap3A_191 {strides = array<i32>} : memref<64xf32, #tpu.memory_space<vmem>>, vector<16xf32>,
    %get3A_192 = arith.constant 16 : index
    %get3A_193 = tpu.vector_load %arg6[%get3A_192] {strides = array<i32>} : memref<8192xf32, #tpu.memory_space<vmem>>, vector<16xf32>,
    %get3A_194 = vector.shape_cast %get3A_193 : vector<16xf32> to vector<16xf32>
    %mul3A_195 = arith.constant 1.270000e+02 : f32
    %mul3A_196 = vector.broadcast %mul3A_195 : f32 to vector<16xf32>
    %mul3A_197 = arith.mulf %get3A_194, %mul3A_196 : vector<16xf32>
    %get3A_198 = arith.constant 16 : index
    %get3A_199 = tpu.vector_load %arg7[%get3A_198] {strides = array<i32>} : memref<8192xf32, #tpu.memory_space<vmem>>, vector<16xf32>,
    %get3A_200 = vector.shape_cast %get3A_199 : vector<16xf32> to vector<16xf32>
    %mul3A_201 = arith.constant 1.270000e+02 : f32
    %mul3A_202 = vector.broadcast %mul3A_201 : f32 to vector<16xf32>
    %mul3A_203 = arith.mulf %get3A_200, %mul3A_202 : vector<16xf32>
    %convert_element_type3A_204 = arith.fptosi %mul3A_197 : vector<16xf32> to vector<16xi32>
    %convert_element_type3A_205 = arith.fptosi %mul3A_203 : vector<16xf32> to vector<16xi32>
    %convert_element_type3A_206 = arith.sitofp %convert_element_type3A_204 : vector<16xi32> to vector<16xf32>
    %sub3A_207 = arith.subf %mul3A_197, %convert_element_type3A_206 : vector<16xf32>
    %convert_element_type3A_208 = arith.sitofp %convert_element_type3A_205 : vector<16xi32> to vector<16xf32>
    %sub3A_209 = arith.subf %mul3A_203, %convert_element_type3A_208 : vector<16xf32>
    %mul3A_210 = arith.constant 128 : i32
    %mul3A_211 = vector.broadcast %mul3A_210 : i32 to vector<16xi32>
    %mul3A_212 = arith.muli %convert_element_type3A_204, %mul3A_211 : vector<16xi32>
    %add3A_213 = arith.addi %mul3A_212, %convert_element_type3A_205 : vector<16xi32>
    %mul3A_214 = arith.constant 4 : i32
    %mul3A_215 = vector.broadcast %mul3A_214 : i32 to vector<16xi32>
    %mul3A_216 = arith.muli %add3A_213, %mul3A_215 : vector<16xi32>
    %add3A_217 = arith.constant 0 : i32
    %add3A_218 = vector.broadcast %add3A_217 : i32 to vector<16xi32>
    %add3A_219 = arith.addi %mul3A_216, %add3A_218 : vector<16xi32>
    %swap3A_220 = arith.constant 0 : index
    %swap3A_221 = tpu.vector_load %arg9[%swap3A_220] {strides = array<i32>} : memref<64xi32, #tpu.memory_space<vmem>>, vector<16xi32>,
    %swap3A_222 = vector.shape_cast %swap3A_221 : vector<16xi32> to vector<16xi32>
    %swap3A_223 = vector.shape_cast %add3A_219 : vector<16xi32> to vector<16xi32>
    tpu.vector_store %arg9[%swap3A_220], %swap3A_223 {strides = array<i32>} : memref<64xi32, #tpu.memory_space<vmem>>, vector<16xi32>,
    %add3A_224 = arith.constant 512 : i32
    %add3A_225 = vector.broadcast %add3A_224 : i32 to vector<16xi32>
    %add3A_226 = arith.addi %mul3A_216, %add3A_225 : vector<16xi32>
    %add3A_227 = arith.constant 0 : i32
    %add3A_228 = vector.broadcast %add3A_227 : i32 to vector<16xi32>
    %add3A_229 = arith.addi %add3A_226, %add3A_228 : vector<16xi32>
    %swap3A_230 = arith.constant 16 : index
    %swap3A_231 = tpu.vector_load %arg9[%swap3A_230] {strides = array<i32>} : memref<64xi32, #tpu.memory_space<vmem>>, vector<16xi32>,
    %swap3A_232 = vector.shape_cast %swap3A_231 : vector<16xi32> to vector<16xi32>
    %swap3A_233 = vector.shape_cast %add3A_229 : vector<16xi32> to vector<16xi32>
    tpu.vector_store %arg9[%swap3A_230], %swap3A_233 {strides = array<i32>} : memref<64xi32, #tpu.memory_space<vmem>>, vector<16xi32>,
    %add3A_234 = arith.constant 4 : i32
    %add3A_235 = vector.broadcast %add3A_234 : i32 to vector<16xi32>
    %add3A_236 = arith.addi %mul3A_216, %add3A_235 : vector<16xi32>
    %add3A_237 = arith.constant 0 : i32
    %add3A_238 = vector.broadcast %add3A_237 : i32 to vector<16xi32>
    %add3A_239 = arith.addi %add3A_236, %add3A_238 : vector<16xi32>
    %swap3A_240 = arith.constant 32 : index
    %swap3A_241 = tpu.vector_load %arg9[%swap3A_240] {strides = array<i32>} : memref<64xi32, #tpu.memory_space<vmem>>, vector<16xi32>,
    %swap3A_242 = vector.shape_cast %swap3A_241 : vector<16xi32> to vector<16xi32>
    %swap3A_243 = vector.shape_cast %add3A_239 : vector<16xi32> to vector<16xi32>
    tpu.vector_store %arg9[%swap3A_240], %swap3A_243 {strides = array<i32>} : memref<64xi32, #tpu.memory_space<vmem>>, vector<16xi32>,
    %add3A_244 = arith.constant 512 : i32
    %add3A_245 = vector.broadcast %add3A_244 : i32 to vector<16xi32>
    %add3A_246 = arith.addi %mul3A_216, %add3A_245 : vector<16xi32>
    %add3A_247 = arith.constant 4 : i32
    %add3A_248 = vector.broadcast %add3A_247 : i32 to vector<16xi32>
    %add3A_249 = arith.addi %add3A_246, %add3A_248 : vector<16xi32>
    %add3A_250 = arith.constant 0 : i32
    %add3A_251 = vector.broadcast %add3A_250 : i32 to vector<16xi32>
    %add3A_252 = arith.addi %add3A_249, %add3A_251 : vector<16xi32>
    %swap3A_253 = arith.constant 48 : index
    %swap3A_254 = tpu.vector_load %arg9[%swap3A_253] {strides = array<i32>} : memref<64xi32, #tpu.memory_space<vmem>>, vector<16xi32>,
    %swap3A_255 = vector.shape_cast %swap3A_254 : vector<16xi32> to vector<16xi32>
    %swap3A_256 = vector.shape_cast %add3A_252 : vector<16xi32> to vector<16xi32>
    tpu.vector_store %arg9[%swap3A_253], %swap3A_256 {strides = array<i32>} : memref<64xi32, #tpu.memory_space<vmem>>, vector<16xi32>,
    %add3A_257 = arith.constant 1 : i32
    %add3A_258 = vector.broadcast %add3A_257 : i32 to vector<16xi32>
    %add3A_259 = arith.addi %mul3A_216, %add3A_258 : vector<16xi32>
    %swap3A_260 = arith.constant 0 : index
    %swap3A_261 = tpu.vector_load %arg11[%swap3A_260] {strides = array<i32>} : memref<64xi32, #tpu.memory_space<vmem>>, vector<16xi32>,
    %swap3A_262 = vector.shape_cast %swap3A_261 : vector<16xi32> to vector<16xi32>
    %swap3A_263 = vector.shape_cast %add3A_259 : vector<16xi32> to vector<16xi32>
    tpu.vector_store %arg11[%swap3A_260], %swap3A_263 {strides = array<i32>} : memref<64xi32, #tpu.memory_space<vmem>>, vector<16xi32>,
    %add3A_264 = arith.constant 512 : i32
    %add3A_265 = vector.broadcast %add3A_264 : i32 to vector<16xi32>
    %add3A_266 = arith.addi %mul3A_216, %add3A_265 : vector<16xi32>
    %add3A_267 = arith.constant 1 : i32
    %add3A_268 = vector.broadcast %add3A_267 : i32 to vector<16xi32>
    %add3A_269 = arith.addi %add3A_266, %add3A_268 : vector<16xi32>
    %swap3A_270 = arith.constant 16 : index
    %swap3A_271 = tpu.vector_load %arg11[%swap3A_270] {strides = array<i32>} : memref<64xi32, #tpu.memory_space<vmem>>, vector<16xi32>,
    %swap3A_272 = vector.shape_cast %swap3A_271 : vector<16xi32> to vector<16xi32>
    %swap3A_273 = vector.shape_cast %add3A_269 : vector<16xi32> to vector<16xi32>
    tpu.vector_store %arg11[%swap3A_270], %swap3A_273 {strides = array<i32>} : memref<64xi32, #tpu.memory_space<vmem>>, vector<16xi32>,
    %add3A_274 = arith.constant 4 : i32
    %add3A_275 = vector.broadcast %add3A_274 : i32 to vector<16xi32>
    %add3A_276 = arith.addi %mul3A_216, %add3A_275 : vector<16xi32>
    %add3A_277 = arith.constant 1 : i32
    %add3A_278 = vector.broadcast %add3A_277 : i32 to vector<16xi32>
    %add3A_279 = arith.addi %add3A_276, %add3A_278 : vector<16xi32>
    %swap3A_280 = arith.constant 32 : index
    %swap3A_281 = tpu.vector_load %arg11[%swap3A_280] {strides = array<i32>} : memref<64xi32, #tpu.memory_space<vmem>>, vector<16xi32>,
    %swap3A_282 = vector.shape_cast %swap3A_281 : vector<16xi32> to vector<16xi32>
    %swap3A_283 = vector.shape_cast %add3A_279 : vector<16xi32> to vector<16xi32>
    tpu.vector_store %arg11[%swap3A_280], %swap3A_283 {strides = array<i32>} : memref<64xi32, #tpu.memory_space<vmem>>, vector<16xi32>,
    %add3A_284 = arith.constant 512 : i32
    %add3A_285 = vector.broadcast %add3A_284 : i32 to vector<16xi32>
    %add3A_286 = arith.addi %mul3A_216, %add3A_285 : vector<16xi32>
    %add3A_287 = arith.constant 4 : i32
    %add3A_288 = vector.broadcast %add3A_287 : i32 to vector<16xi32>
    %add3A_289 = arith.addi %add3A_286, %add3A_288 : vector<16xi32>
    %add3A_290 = arith.constant 1 : i32
    %add3A_291 = vector.broadcast %add3A_290 : i32 to vector<16xi32>
    %add3A_292 = arith.addi %add3A_289, %add3A_291 : vector<16xi32>
    %swap3A_293 = arith.constant 48 : index
    %swap3A_294 = tpu.vector_load %arg11[%swap3A_293] {strides = array<i32>} : memref<64xi32, #tpu.memory_space<vmem>>, vector<16xi32>,
    %swap3A_295 = vector.shape_cast %swap3A_294 : vector<16xi32> to vector<16xi32>
    %swap3A_296 = vector.shape_cast %add3A_292 : vector<16xi32> to vector<16xi32>
    tpu.vector_store %arg11[%swap3A_293], %swap3A_296 {strides = array<i32>} : memref<64xi32, #tpu.memory_space<vmem>>, vector<16xi32>,
    %add3A_297 = arith.constant 2 : i32
    %add3A_298 = vector.broadcast %add3A_297 : i32 to vector<16xi32>
    %add3A_299 = arith.addi %mul3A_216, %add3A_298 : vector<16xi32>
    %swap3A_300 = arith.constant 0 : index
    %swap3A_301 = tpu.vector_load %arg13[%swap3A_300] {strides = array<i32>} : memref<64xi32, #tpu.memory_space<vmem>>, vector<16xi32>,
    %swap3A_302 = vector.shape_cast %swap3A_301 : vector<16xi32> to vector<16xi32>
    %swap3A_303 = vector.shape_cast %add3A_299 : vector<16xi32> to vector<16xi32>
    tpu.vector_store %arg13[%swap3A_300], %swap3A_303 {strides = array<i32>} : memref<64xi32, #tpu.memory_space<vmem>>, vector<16xi32>,
    %add3A_304 = arith.constant 512 : i32
    %add3A_305 = vector.broadcast %add3A_304 : i32 to vector<16xi32>
    %add3A_306 = arith.addi %mul3A_216, %add3A_305 : vector<16xi32>
    %add3A_307 = arith.constant 2 : i32
    %add3A_308 = vector.broadcast %add3A_307 : i32 to vector<16xi32>
    %add3A_309 = arith.addi %add3A_306, %add3A_308 : vector<16xi32>
    %swap3A_310 = arith.constant 16 : index
    %swap3A_311 = tpu.vector_load %arg13[%swap3A_310] {strides = array<i32>} : memref<64xi32, #tpu.memory_space<vmem>>, vector<16xi32>,
    %swap3A_312 = vector.shape_cast %swap3A_311 : vector<16xi32> to vector<16xi32>
    %swap3A_313 = vector.shape_cast %add3A_309 : vector<16xi32> to vector<16xi32>
    tpu.vector_store %arg13[%swap3A_310], %swap3A_313 {strides = array<i32>} : memref<64xi32, #tpu.memory_space<vmem>>, vector<16xi32>,
    %add3A_314 = arith.constant 4 : i32
    %add3A_315 = vector.broadcast %add3A_314 : i32 to vector<16xi32>
    %add3A_316 = arith.addi %mul3A_216, %add3A_315 : vector<16xi32>
    %add3A_317 = arith.constant 2 : i32
    %add3A_318 = vector.broadcast %add3A_317 : i32 to vector<16xi32>
    %add3A_319 = arith.addi %add3A_316, %add3A_318 : vector<16xi32>
    %swap3A_320 = arith.constant 32 : index
    %swap3A_321 = tpu.vector_load %arg13[%swap3A_320] {strides = array<i32>} : memref<64xi32, #tpu.memory_space<vmem>>, vector<16xi32>,
    %swap3A_322 = vector.shape_cast %swap3A_321 : vector<16xi32> to vector<16xi32>
    %swap3A_323 = vector.shape_cast %add3A_319 : vector<16xi32> to vector<16xi32>
    tpu.vector_store %arg13[%swap3A_320], %swap3A_323 {strides = array<i32>} : memref<64xi32, #tpu.memory_space<vmem>>, vector<16xi32>,
    %add3A_324 = arith.constant 512 : i32
    %add3A_325 = vector.broadcast %add3A_324 : i32 to vector<16xi32>
    %add3A_326 = arith.addi %mul3A_216, %add3A_325 : vector<16xi32>
    %add3A_327 = arith.constant 4 : i32
    %add3A_328 = vector.broadcast %add3A_327 : i32 to vector<16xi32>
    %add3A_329 = arith.addi %add3A_326, %add3A_328 : vector<16xi32>
    %add3A_330 = arith.constant 2 : i32
    %add3A_331 = vector.broadcast %add3A_330 : i32 to vector<16xi32>
    %add3A_332 = arith.addi %add3A_329, %add3A_331 : vector<16xi32>
    %swap3A_333 = arith.constant 48 : index
    %swap3A_334 = tpu.vector_load %arg13[%swap3A_333] {strides = array<i32>} : memref<64xi32, #tpu.memory_space<vmem>>, vector<16xi32>,
    %swap3A_335 = vector.shape_cast %swap3A_334 : vector<16xi32> to vector<16xi32>
    %swap3A_336 = vector.shape_cast %add3A_332 : vector<16xi32> to vector<16xi32>
    tpu.vector_store %arg13[%swap3A_333], %swap3A_336 {strides = array<i32>} : memref<64xi32, #tpu.memory_space<vmem>>, vector<16xi32>,
    %add3A_337 = arith.constant 3 : i32
    %add3A_338 = vector.broadcast %add3A_337 : i32 to vector<16xi32>
    %add3A_339 = arith.addi %mul3A_216, %add3A_338 : vector<16xi32>
    %swap3A_340 = arith.constant 0 : index
    %swap3A_341 = tpu.vector_load %arg15[%swap3A_340] {strides = array<i32>} : memref<64xi32, #tpu.memory_space<vmem>>, vector<16xi32>,
    %swap3A_342 = vector.shape_cast %swap3A_341 : vector<16xi32> to vector<16xi32>
    %swap3A_343 = vector.shape_cast %add3A_339 : vector<16xi32> to vector<16xi32>
    tpu.vector_store %arg15[%swap3A_340], %swap3A_343 {strides = array<i32>} : memref<64xi32, #tpu.memory_space<vmem>>, vector<16xi32>,
    %add3A_344 = arith.constant 512 : i32
    %add3A_345 = vector.broadcast %add3A_344 : i32 to vector<16xi32>
    %add3A_346 = arith.addi %mul3A_216, %add3A_345 : vector<16xi32>
    %add3A_347 = arith.constant 3 : i32
    %add3A_348 = vector.broadcast %add3A_347 : i32 to vector<16xi32>
    %add3A_349 = arith.addi %add3A_346, %add3A_348 : vector<16xi32>
    %swap3A_350 = arith.constant 16 : index
    %swap3A_351 = tpu.vector_load %arg15[%swap3A_350] {strides = array<i32>} : memref<64xi32, #tpu.memory_space<vmem>>, vector<16xi32>,
    %swap3A_352 = vector.shape_cast %swap3A_351 : vector<16xi32> to vector<16xi32>
    %swap3A_353 = vector.shape_cast %add3A_349 : vector<16xi32> to vector<16xi32>
    tpu.vector_store %arg15[%swap3A_350], %swap3A_353 {strides = array<i32>} : memref<64xi32, #tpu.memory_space<vmem>>, vector<16xi32>,
    %add3A_354 = arith.constant 4 : i32
    %add3A_355 = vector.broadcast %add3A_354 : i32 to vector<16xi32>
    %add3A_356 = arith.addi %mul3A_216, %add3A_355 : vector<16xi32>
    %add3A_357 = arith.constant 3 : i32
    %add3A_358 = vector.broadcast %add3A_357 : i32 to vector<16xi32>
    %add3A_359 = arith.addi %add3A_356, %add3A_358 : vector<16xi32>
    %swap3A_360 = arith.constant 32 : index
    %swap3A_361 = tpu.vector_load %arg15[%swap3A_360] {strides = array<i32>} : memref<64xi32, #tpu.memory_space<vmem>>, vector<16xi32>,
    %swap3A_362 = vector.shape_cast %swap3A_361 : vector<16xi32> to vector<16xi32>
    %swap3A_363 = vector.shape_cast %add3A_359 : vector<16xi32> to vector<16xi32>
    tpu.vector_store %arg15[%swap3A_360], %swap3A_363 {strides = array<i32>} : memref<64xi32, #tpu.memory_space<vmem>>, vector<16xi32>,
    %add3A_364 = arith.constant 512 : i32
    %add3A_365 = vector.broadcast %add3A_364 : i32 to vector<16xi32>
    %add3A_366 = arith.addi %mul3A_216, %add3A_365 : vector<16xi32>
    %add3A_367 = arith.constant 4 : i32
    %add3A_368 = vector.broadcast %add3A_367 : i32 to vector<16xi32>
    %add3A_369 = arith.addi %add3A_366, %add3A_368 : vector<16xi32>
    %add3A_370 = arith.constant 3 : i32
    %add3A_371 = vector.broadcast %add3A_370 : i32 to vector<16xi32>
    %add3A_372 = arith.addi %add3A_369, %add3A_371 : vector<16xi32>
    %swap3A_373 = arith.constant 48 : index
    %swap3A_374 = tpu.vector_load %arg15[%swap3A_373] {strides = array<i32>} : memref<64xi32, #tpu.memory_space<vmem>>, vector<16xi32>,
    %swap3A_375 = vector.shape_cast %swap3A_374 : vector<16xi32> to vector<16xi32>
    %swap3A_376 = vector.shape_cast %add3A_372 : vector<16xi32> to vector<16xi32>
    tpu.vector_store %arg15[%swap3A_373], %swap3A_376 {strides = array<i32>} : memref<64xi32, #tpu.memory_space<vmem>>, vector<16xi32>,
    %swap3A_377 = arith.constant 0 : index
    %swap3A_378 = tpu.vector_load %arg17[%swap3A_377] {strides = array<i32>} : memref<64xf32, #tpu.memory_space<vmem>>, vector<16xf32>,
    %swap3A_379 = vector.shape_cast %swap3A_378 : vector<16xf32> to vector<16xf32>
    %swap3A_380 = vector.shape_cast %sub3A_207 : vector<16xf32> to vector<16xf32>
    tpu.vector_store %arg17[%swap3A_377], %swap3A_380 {strides = array<i32>} : memref<64xf32, #tpu.memory_space<vmem>>, vector<16xf32>,
    %swap3A_381 = arith.constant 16 : index
    %swap3A_382 = tpu.vector_load %arg17[%swap3A_381] {strides = array<i32>} : memref<64xf32, #tpu.memory_space<vmem>>, vector<16xf32>,
    %swap3A_383 = vector.shape_cast %swap3A_382 : vector<16xf32> to vector<16xf32>
    %swap3A_384 = vector.shape_cast %sub3A_209 : vector<16xf32> to vector<16xf32>
    tpu.vector_store %arg17[%swap3A_381], %swap3A_384 {strides = array<i32>} : memref<64xf32, #tpu.memory_space<vmem>>, vector<16xf32>,
    %dma_start3A = arith.constant 0 : i32
    %dma_start3A_385 = arith.constant 0 : i32
    %dma_start3A_386 = tpu.memref_slice %arg4[%dma_start3A, %dma_start3A_385] : memref<65536x256xf32, #tpu.memory_space<hbm>> -> memref<65536x256xf32, #tpu.memory_space<hbm>>
    tpu.enqueue_indirect_dma source(%dma_start3A_386 : memref<65536x256xf32, #tpu.memory_space<hbm>>) target(%arg18 : memref<64x256xf32, #tpu.memory_space<vmem>>) offsets(%arg8 : memref<64xi32, #tpu.memory_space<vmem>>) semaphore(%arg24 : memref<!tpu.dma_semaphore, #tpu.memory_space<semaphore_mem>>)
    %dma_start3A_387 = arith.constant 0 : i32
    %dma_start3A_388 = arith.constant 0 : i32
    %dma_start3A_389 = tpu.memref_slice %arg4[%dma_start3A_387, %dma_start3A_388] : memref<65536x256xf32, #tpu.memory_space<hbm>> -> memref<65536x256xf32, #tpu.memory_space<hbm>>
    tpu.enqueue_indirect_dma source(%dma_start3A_389 : memref<65536x256xf32, #tpu.memory_space<hbm>>) target(%arg18 : memref<64x256xf32, #tpu.memory_space<vmem>>) offsets(%arg9 : memref<64xi32, #tpu.memory_space<vmem>>) semaphore(%arg24 : memref<!tpu.dma_semaphore, #tpu.memory_space<semaphore_mem>>)
    %dma_start3A_390 = arith.constant 0 : i32
    %dma_start3A_391 = arith.constant 0 : i32
    %dma_start3A_392 = tpu.memref_slice %arg4[%dma_start3A_390, %dma_start3A_391] : memref<65536x256xf32, #tpu.memory_space<hbm>> -> memref<65536x256xf32, #tpu.memory_space<hbm>>
    tpu.enqueue_indirect_dma source(%dma_start3A_392 : memref<65536x256xf32, #tpu.memory_space<hbm>>) target(%arg19 : memref<64x256xf32, #tpu.memory_space<vmem>>) offsets(%arg10 : memref<64xi32, #tpu.memory_space<vmem>>) semaphore(%arg25 : memref<!tpu.dma_semaphore, #tpu.memory_space<semaphore_mem>>)
    %dma_start3A_393 = arith.constant 0 : i32
    %dma_start3A_394 = arith.constant 0 : i32
    %dma_start3A_395 = tpu.memref_slice %arg4[%dma_start3A_393, %dma_start3A_394] : memref<65536x256xf32, #tpu.memory_space<hbm>> -> memref<65536x256xf32, #tpu.memory_space<hbm>>
    tpu.enqueue_indirect_dma source(%dma_start3A_395 : memref<65536x256xf32, #tpu.memory_space<hbm>>) target(%arg19 : memref<64x256xf32, #tpu.memory_space<vmem>>) offsets(%arg11 : memref<64xi32, #tpu.memory_space<vmem>>) semaphore(%arg25 : memref<!tpu.dma_semaphore, #tpu.memory_space<semaphore_mem>>)
    %dma_start3A_396 = arith.constant 0 : i32
    %dma_start3A_397 = arith.constant 0 : i32
    %dma_start3A_398 = tpu.memref_slice %arg4[%dma_start3A_396, %dma_start3A_397] : memref<65536x256xf32, #tpu.memory_space<hbm>> -> memref<65536x256xf32, #tpu.memory_space<hbm>>
    tpu.enqueue_indirect_dma source(%dma_start3A_398 : memref<65536x256xf32, #tpu.memory_space<hbm>>) target(%arg20 : memref<64x256xf32, #tpu.memory_space<vmem>>) offsets(%arg12 : memref<64xi32, #tpu.memory_space<vmem>>) semaphore(%arg26 : memref<!tpu.dma_semaphore, #tpu.memory_space<semaphore_mem>>)
    %dma_start3A_399 = arith.constant 0 : i32
    %dma_start3A_400 = arith.constant 0 : i32
    %dma_start3A_401 = tpu.memref_slice %arg4[%dma_start3A_399, %dma_start3A_400] : memref<65536x256xf32, #tpu.memory_space<hbm>> -> memref<65536x256xf32, #tpu.memory_space<hbm>>
    tpu.enqueue_indirect_dma source(%dma_start3A_401 : memref<65536x256xf32, #tpu.memory_space<hbm>>) target(%arg20 : memref<64x256xf32, #tpu.memory_space<vmem>>) offsets(%arg13 : memref<64xi32, #tpu.memory_space<vmem>>) semaphore(%arg26 : memref<!tpu.dma_semaphore, #tpu.memory_space<semaphore_mem>>)
    %dma_start3A_402 = arith.constant 0 : i32
    %dma_start3A_403 = arith.constant 0 : i32
    %dma_start3A_404 = tpu.memref_slice %arg4[%dma_start3A_402, %dma_start3A_403] : memref<65536x256xf32, #tpu.memory_space<hbm>> -> memref<65536x256xf32, #tpu.memory_space<hbm>>
    tpu.enqueue_indirect_dma source(%dma_start3A_404 : memref<65536x256xf32, #tpu.memory_space<hbm>>) target(%arg21 : memref<64x256xf32, #tpu.memory_space<vmem>>) offsets(%arg14 : memref<64xi32, #tpu.memory_space<vmem>>) semaphore(%arg27 : memref<!tpu.dma_semaphore, #tpu.memory_space<semaphore_mem>>)
    %dma_start3A_405 = arith.constant 0 : i32
    %dma_start3A_406 = arith.constant 0 : i32
    %dma_start3A_407 = tpu.memref_slice %arg4[%dma_start3A_405, %dma_start3A_406] : memref<65536x256xf32, #tpu.memory_space<hbm>> -> memref<65536x256xf32, #tpu.memory_space<hbm>>
    tpu.enqueue_indirect_dma source(%dma_start3A_407 : memref<65536x256xf32, #tpu.memory_space<hbm>>) target(%arg21 : memref<64x256xf32, #tpu.memory_space<vmem>>) offsets(%arg15 : memref<64xi32, #tpu.memory_space<vmem>>) semaphore(%arg27 : memref<!tpu.dma_semaphore, #tpu.memory_space<semaphore_mem>>)
    %scan3A = arith.constant 0 : i32
    %scan3A_408 = arith.constant 0 : i32
    %scan3A_409 = arith.constant 256 : i32
    %scan3A_410 = arith.addi %scan3A_408, %scan3A_409 : i32
    %scan3A_411 = arith.constant 1 : i32
    %scan3A_412 = scf.for %scan3A_445 = %scan3A_408 to %scan3A_410 step %scan3A_411 iter_args(%scan3A_446 = %scan3A) -> (i32)  : i32 {
      %mul3A_447 = arith.constant 2 : i32
      %mul3A_448 = arith.muli %scan3A_445, %mul3A_447 : i32
      %add3A_449 = arith.constant 0 : i32
      %add3A_450 = arith.addi %mul3A_448, %add3A_449 : i32
      %ge3A = arith.constant 2 : i32
      %ge3A_451 = arith.cmpi sge, %add3A_450, %ge3A : i32
      %convert_element_type3A_452 = arith.extui %ge3A_451 : i1 to i32
      %cond3A = arith.constant 0 : i32
      %cond3A_453 = arith.cmpi ne, %convert_element_type3A_452, %cond3A : i32
      scf.if %cond3A_453 {
        %dma_wait3A_937 = arith.constant 0 : i32
        %dma_wait3A_938 = tpu.memref_slice %arg5[%mul3A_2, %dma_wait3A_937] : memref<262144x1024xf32, #tpu.memory_space<hbm>> -> memref<16x1024xf32, #tpu.memory_space<hbm>>
        %dma_wait3A_939 = arith.constant 0 : i32
        %dma_wait3A_940 = tpu.memref_slice %arg5[%mul3A_2, %dma_wait3A_939] : memref<262144x1024xf32, #tpu.memory_space<hbm>> -> memref<16x1024xf32, #tpu.memory_space<hbm>>
        tpu.wait_dma2 semaphore(%arg28 : memref<!tpu.dma_semaphore, #tpu.memory_space<semaphore_mem>>) src(%arg22 : memref<16x1024xf32, #tpu.memory_space<vmem>>) dst(%dma_wait3A_940 : memref<16x1024xf32, #tpu.memory_space<hbm>>)
      } else {
      }
      %eq3A = arith.constant 511 : i32
      %eq3A_454 = arith.cmpi eq, %add3A_450, %eq3A : i32
      %add3A_455 = arith.constant 1 : i32
      %add3A_456 = arith.addi %add3A_450, %add3A_455 : i32
      %jit3A = arith.constant 0 : i32
      %select_n3A = arith.select %eq3A_454, %jit3A, %add3A_456 : i32
      %mul3A_457 = arith.constant 16 : i32
      %mul3A_458 = arith.muli %select_n3A, %mul3A_457 : i32
      %get3A_459 = arith.index_cast %mul3A_458 : i32 to index
      %get3A_460 = tpu.vector_load %arg6[%get3A_459] {strides = array<i32>} : memref<8192xf32, #tpu.memory_space<vmem>>, vector<16xf32>,
      %get3A_461 = vector.shape_cast %get3A_460 : vector<16xf32> to vector<16xf32>
      %mul3A_462 = arith.constant 1.270000e+02 : f32
      %mul3A_463 = vector.broadcast %mul3A_462 : f32 to vector<16xf32>
      %mul3A_464 = arith.mulf %get3A_461, %mul3A_463 : vector<16xf32>
      %get3A_465 = arith.index_cast %mul3A_458 : i32 to index
      %get3A_466 = tpu.vector_load %arg7[%get3A_465] {strides = array<i32>} : memref<8192xf32, #tpu.memory_space<vmem>>, vector<16xf32>,
      %get3A_467 = vector.shape_cast %get3A_466 : vector<16xf32> to vector<16xf32>
      %mul3A_468 = arith.constant 1.270000e+02 : f32
      %mul3A_469 = vector.broadcast %mul3A_468 : f32 to vector<16xf32>
      %mul3A_470 = arith.mulf %get3A_467, %mul3A_469 : vector<16xf32>
      %convert_element_type3A_471 = arith.fptosi %mul3A_464 : vector<16xf32> to vector<16xi32>
      %convert_element_type3A_472 = arith.fptosi %mul3A_470 : vector<16xf32> to vector<16xi32>
      %convert_element_type3A_473 = arith.sitofp %convert_element_type3A_471 : vector<16xi32> to vector<16xf32>
      %sub3A_474 = arith.subf %mul3A_464, %convert_element_type3A_473 : vector<16xf32>
      %convert_element_type3A_475 = arith.sitofp %convert_element_type3A_472 : vector<16xi32> to vector<16xf32>
      %sub3A_476 = arith.subf %mul3A_470, %convert_element_type3A_475 : vector<16xf32>
      %mul3A_477 = arith.constant 128 : i32
      %mul3A_478 = vector.broadcast %mul3A_477 : i32 to vector<16xi32>
      %mul3A_479 = arith.muli %convert_element_type3A_471, %mul3A_478 : vector<16xi32>
      %add3A_480 = arith.addi %mul3A_479, %convert_element_type3A_472 : vector<16xi32>
      %mul3A_481 = arith.constant 4 : i32
      %mul3A_482 = vector.broadcast %mul3A_481 : i32 to vector<16xi32>
      %mul3A_483 = arith.muli %add3A_480, %mul3A_482 : vector<16xi32>
      %add3A_484 = arith.constant 0 : i32
      %add3A_485 = vector.broadcast %add3A_484 : i32 to vector<16xi32>
      %add3A_486 = arith.addi %mul3A_483, %add3A_485 : vector<16xi32>
      %swap3A_487 = arith.constant 0 : index
      %swap3A_488 = tpu.vector_load %arg9[%swap3A_487] {strides = array<i32>} : memref<64xi32, #tpu.memory_space<vmem>>, vector<16xi32>,
      %swap3A_489 = vector.shape_cast %swap3A_488 : vector<16xi32> to vector<16xi32>
      %swap3A_490 = vector.shape_cast %add3A_486 : vector<16xi32> to vector<16xi32>
      tpu.vector_store %arg9[%swap3A_487], %swap3A_490 {strides = array<i32>} : memref<64xi32, #tpu.memory_space<vmem>>, vector<16xi32>,
      %add3A_491 = arith.constant 512 : i32
      %add3A_492 = vector.broadcast %add3A_491 : i32 to vector<16xi32>
      %add3A_493 = arith.addi %mul3A_483, %add3A_492 : vector<16xi32>
      %add3A_494 = arith.constant 0 : i32
      %add3A_495 = vector.broadcast %add3A_494 : i32 to vector<16xi32>
      %add3A_496 = arith.addi %add3A_493, %add3A_495 : vector<16xi32>
      %swap3A_497 = arith.constant 16 : index
      %swap3A_498 = tpu.vector_load %arg9[%swap3A_497] {strides = array<i32>} : memref<64xi32, #tpu.memory_space<vmem>>, vector<16xi32>,
      %swap3A_499 = vector.shape_cast %swap3A_498 : vector<16xi32> to vector<16xi32>
      %swap3A_500 = vector.shape_cast %add3A_496 : vector<16xi32> to vector<16xi32>
      tpu.vector_store %arg9[%swap3A_497], %swap3A_500 {strides = array<i32>} : memref<64xi32, #tpu.memory_space<vmem>>, vector<16xi32>,
      %add3A_501 = arith.constant 4 : i32
      %add3A_502 = vector.broadcast %add3A_501 : i32 to vector<16xi32>
      %add3A_503 = arith.addi %mul3A_483, %add3A_502 : vector<16xi32>
      %add3A_504 = arith.constant 0 : i32
      %add3A_505 = vector.broadcast %add3A_504 : i32 to vector<16xi32>
      %add3A_506 = arith.addi %add3A_503, %add3A_505 : vector<16xi32>
      %swap3A_507 = arith.constant 32 : index
      %swap3A_508 = tpu.vector_load %arg9[%swap3A_507] {strides = array<i32>} : memref<64xi32, #tpu.memory_space<vmem>>, vector<16xi32>,
      %swap3A_509 = vector.shape_cast %swap3A_508 : vector<16xi32> to vector<16xi32>
      %swap3A_510 = vector.shape_cast %add3A_506 : vector<16xi32> to vector<16xi32>
      tpu.vector_store %arg9[%swap3A_507], %swap3A_510 {strides = array<i32>} : memref<64xi32, #tpu.memory_space<vmem>>, vector<16xi32>,
      %add3A_511 = arith.constant 512 : i32
      %add3A_512 = vector.broadcast %add3A_511 : i32 to vector<16xi32>
      %add3A_513 = arith.addi %mul3A_483, %add3A_512 : vector<16xi32>
      %add3A_514 = arith.constant 4 : i32
      %add3A_515 = vector.broadcast %add3A_514 : i32 to vector<16xi32>
      %add3A_516 = arith.addi %add3A_513, %add3A_515 : vector<16xi32>
      %add3A_517 = arith.constant 0 : i32
      %add3A_518 = vector.broadcast %add3A_517 : i32 to vector<16xi32>
      %add3A_519 = arith.addi %add3A_516, %add3A_518 : vector<16xi32>
      %swap3A_520 = arith.constant 48 : index
      %swap3A_521 = tpu.vector_load %arg9[%swap3A_520] {strides = array<i32>} : memref<64xi32, #tpu.memory_space<vmem>>, vector<16xi32>,
      %swap3A_522 = vector.shape_cast %swap3A_521 : vector<16xi32> to vector<16xi32>
      %swap3A_523 = vector.shape_cast %add3A_519 : vector<16xi32> to vector<16xi32>
      tpu.vector_store %arg9[%swap3A_520], %swap3A_523 {strides = array<i32>} : memref<64xi32, #tpu.memory_space<vmem>>, vector<16xi32>,
      %add3A_524 = arith.constant 1 : i32
      %add3A_525 = vector.broadcast %add3A_524 : i32 to vector<16xi32>
      %add3A_526 = arith.addi %mul3A_483, %add3A_525 : vector<16xi32>
      %swap3A_527 = arith.constant 0 : index
      %swap3A_528 = tpu.vector_load %arg11[%swap3A_527] {strides = array<i32>} : memref<64xi32, #tpu.memory_space<vmem>>, vector<16xi32>,
      %swap3A_529 = vector.shape_cast %swap3A_528 : vector<16xi32> to vector<16xi32>
      %swap3A_530 = vector.shape_cast %add3A_526 : vector<16xi32> to vector<16xi32>
      tpu.vector_store %arg11[%swap3A_527], %swap3A_530 {strides = array<i32>} : memref<64xi32, #tpu.memory_space<vmem>>, vector<16xi32>,
      %add3A_531 = arith.constant 512 : i32
      %add3A_532 = vector.broadcast %add3A_531 : i32 to vector<16xi32>
      %add3A_533 = arith.addi %mul3A_483, %add3A_532 : vector<16xi32>
      %add3A_534 = arith.constant 1 : i32
      %add3A_535 = vector.broadcast %add3A_534 : i32 to vector<16xi32>
      %add3A_536 = arith.addi %add3A_533, %add3A_535 : vector<16xi32>
      %swap3A_537 = arith.constant 16 : index
      %swap3A_538 = tpu.vector_load %arg11[%swap3A_537] {strides = array<i32>} : memref<64xi32, #tpu.memory_space<vmem>>, vector<16xi32>,
      %swap3A_539 = vector.shape_cast %swap3A_538 : vector<16xi32> to vector<16xi32>
      %swap3A_540 = vector.shape_cast %add3A_536 : vector<16xi32> to vector<16xi32>
      tpu.vector_store %arg11[%swap3A_537], %swap3A_540 {strides = array<i32>} : memref<64xi32, #tpu.memory_space<vmem>>, vector<16xi32>,
      %add3A_541 = arith.constant 4 : i32
      %add3A_542 = vector.broadcast %add3A_541 : i32 to vector<16xi32>
      %add3A_543 = arith.addi %mul3A_483, %add3A_542 : vector<16xi32>
      %add3A_544 = arith.constant 1 : i32
      %add3A_545 = vector.broadcast %add3A_544 : i32 to vector<16xi32>
      %add3A_546 = arith.addi %add3A_543, %add3A_545 : vector<16xi32>
      %swap3A_547 = arith.constant 32 : index
      %swap3A_548 = tpu.vector_load %arg11[%swap3A_547] {strides = array<i32>} : memref<64xi32, #tpu.memory_space<vmem>>, vector<16xi32>,
      %swap3A_549 = vector.shape_cast %swap3A_548 : vector<16xi32> to vector<16xi32>
      %swap3A_550 = vector.shape_cast %add3A_546 : vector<16xi32> to vector<16xi32>
      tpu.vector_store %arg11[%swap3A_547], %swap3A_550 {strides = array<i32>} : memref<64xi32, #tpu.memory_space<vmem>>, vector<16xi32>,
      %add3A_551 = arith.constant 512 : i32
      %add3A_552 = vector.broadcast %add3A_551 : i32 to vector<16xi32>
      %add3A_553 = arith.addi %mul3A_483, %add3A_552 : vector<16xi32>
      %add3A_554 = arith.constant 4 : i32
      %add3A_555 = vector.broadcast %add3A_554 : i32 to vector<16xi32>
      %add3A_556 = arith.addi %add3A_553, %add3A_555 : vector<16xi32>
      %add3A_557 = arith.constant 1 : i32
      %add3A_558 = vector.broadcast %add3A_557 : i32 to vector<16xi32>
      %add3A_559 = arith.addi %add3A_556, %add3A_558 : vector<16xi32>
      %swap3A_560 = arith.constant 48 : index
      %swap3A_561 = tpu.vector_load %arg11[%swap3A_560] {strides = array<i32>} : memref<64xi32, #tpu.memory_space<vmem>>, vector<16xi32>,
      %swap3A_562 = vector.shape_cast %swap3A_561 : vector<16xi32> to vector<16xi32>
      %swap3A_563 = vector.shape_cast %add3A_559 : vector<16xi32> to vector<16xi32>
      tpu.vector_store %arg11[%swap3A_560], %swap3A_563 {strides = array<i32>} : memref<64xi32, #tpu.memory_space<vmem>>, vector<16xi32>,
      %add3A_564 = arith.constant 2 : i32
      %add3A_565 = vector.broadcast %add3A_564 : i32 to vector<16xi32>
      %add3A_566 = arith.addi %mul3A_483, %add3A_565 : vector<16xi32>
      %swap3A_567 = arith.constant 0 : index
      %swap3A_568 = tpu.vector_load %arg13[%swap3A_567] {strides = array<i32>} : memref<64xi32, #tpu.memory_space<vmem>>, vector<16xi32>,
      %swap3A_569 = vector.shape_cast %swap3A_568 : vector<16xi32> to vector<16xi32>
      %swap3A_570 = vector.shape_cast %add3A_566 : vector<16xi32> to vector<16xi32>
      tpu.vector_store %arg13[%swap3A_567], %swap3A_570 {strides = array<i32>} : memref<64xi32, #tpu.memory_space<vmem>>, vector<16xi32>,
      %add3A_571 = arith.constant 512 : i32
      %add3A_572 = vector.broadcast %add3A_571 : i32 to vector<16xi32>
      %add3A_573 = arith.addi %mul3A_483, %add3A_572 : vector<16xi32>
      %add3A_574 = arith.constant 2 : i32
      %add3A_575 = vector.broadcast %add3A_574 : i32 to vector<16xi32>
      %add3A_576 = arith.addi %add3A_573, %add3A_575 : vector<16xi32>
      %swap3A_577 = arith.constant 16 : index
      %swap3A_578 = tpu.vector_load %arg13[%swap3A_577] {strides = array<i32>} : memref<64xi32, #tpu.memory_space<vmem>>, vector<16xi32>,
      %swap3A_579 = vector.shape_cast %swap3A_578 : vector<16xi32> to vector<16xi32>
      %swap3A_580 = vector.shape_cast %add3A_576 : vector<16xi32> to vector<16xi32>
      tpu.vector_store %arg13[%swap3A_577], %swap3A_580 {strides = array<i32>} : memref<64xi32, #tpu.memory_space<vmem>>, vector<16xi32>,
      %add3A_581 = arith.constant 4 : i32
      %add3A_582 = vector.broadcast %add3A_581 : i32 to vector<16xi32>
      %add3A_583 = arith.addi %mul3A_483, %add3A_582 : vector<16xi32>
      %add3A_584 = arith.constant 2 : i32
      %add3A_585 = vector.broadcast %add3A_584 : i32 to vector<16xi32>
      %add3A_586 = arith.addi %add3A_583, %add3A_585 : vector<16xi32>
      %swap3A_587 = arith.constant 32 : index
      %swap3A_588 = tpu.vector_load %arg13[%swap3A_587] {strides = array<i32>} : memref<64xi32, #tpu.memory_space<vmem>>, vector<16xi32>,
      %swap3A_589 = vector.shape_cast %swap3A_588 : vector<16xi32> to vector<16xi32>
      %swap3A_590 = vector.shape_cast %add3A_586 : vector<16xi32> to vector<16xi32>
      tpu.vector_store %arg13[%swap3A_587], %swap3A_590 {strides = array<i32>} : memref<64xi32, #tpu.memory_space<vmem>>, vector<16xi32>,
      %add3A_591 = arith.constant 512 : i32
      %add3A_592 = vector.broadcast %add3A_591 : i32 to vector<16xi32>
      %add3A_593 = arith.addi %mul3A_483, %add3A_592 : vector<16xi32>
      %add3A_594 = arith.constant 4 : i32
      %add3A_595 = vector.broadcast %add3A_594 : i32 to vector<16xi32>
      %add3A_596 = arith.addi %add3A_593, %add3A_595 : vector<16xi32>
      %add3A_597 = arith.constant 2 : i32
      %add3A_598 = vector.broadcast %add3A_597 : i32 to vector<16xi32>
      %add3A_599 = arith.addi %add3A_596, %add3A_598 : vector<16xi32>
      %swap3A_600 = arith.constant 48 : index
      %swap3A_601 = tpu.vector_load %arg13[%swap3A_600] {strides = array<i32>} : memref<64xi32, #tpu.memory_space<vmem>>, vector<16xi32>,
      %swap3A_602 = vector.shape_cast %swap3A_601 : vector<16xi32> to vector<16xi32>
      %swap3A_603 = vector.shape_cast %add3A_599 : vector<16xi32> to vector<16xi32>
      tpu.vector_store %arg13[%swap3A_600], %swap3A_603 {strides = array<i32>} : memref<64xi32, #tpu.memory_space<vmem>>, vector<16xi32>,
      %add3A_604 = arith.constant 3 : i32
      %add3A_605 = vector.broadcast %add3A_604 : i32 to vector<16xi32>
      %add3A_606 = arith.addi %mul3A_483, %add3A_605 : vector<16xi32>
      %swap3A_607 = arith.constant 0 : index
      %swap3A_608 = tpu.vector_load %arg15[%swap3A_607] {strides = array<i32>} : memref<64xi32, #tpu.memory_space<vmem>>, vector<16xi32>,
      %swap3A_609 = vector.shape_cast %swap3A_608 : vector<16xi32> to vector<16xi32>
      %swap3A_610 = vector.shape_cast %add3A_606 : vector<16xi32> to vector<16xi32>
      tpu.vector_store %arg15[%swap3A_607], %swap3A_610 {strides = array<i32>} : memref<64xi32, #tpu.memory_space<vmem>>, vector<16xi32>,
      %add3A_611 = arith.constant 512 : i32
      %add3A_612 = vector.broadcast %add3A_611 : i32 to vector<16xi32>
      %add3A_613 = arith.addi %mul3A_483, %add3A_612 : vector<16xi32>
      %add3A_614 = arith.constant 3 : i32
      %add3A_615 = vector.broadcast %add3A_614 : i32 to vector<16xi32>
      %add3A_616 = arith.addi %add3A_613, %add3A_615 : vector<16xi32>
      %swap3A_617 = arith.constant 16 : index
      %swap3A_618 = tpu.vector_load %arg15[%swap3A_617] {strides = array<i32>} : memref<64xi32, #tpu.memory_space<vmem>>, vector<16xi32>,
      %swap3A_619 = vector.shape_cast %swap3A_618 : vector<16xi32> to vector<16xi32>
      %swap3A_620 = vector.shape_cast %add3A_616 : vector<16xi32> to vector<16xi32>
      tpu.vector_store %arg15[%swap3A_617], %swap3A_620 {strides = array<i32>} : memref<64xi32, #tpu.memory_space<vmem>>, vector<16xi32>,
      %add3A_621 = arith.constant 4 : i32
      %add3A_622 = vector.broadcast %add3A_621 : i32 to vector<16xi32>
      %add3A_623 = arith.addi %mul3A_483, %add3A_622 : vector<16xi32>
      %add3A_624 = arith.constant 3 : i32
      %add3A_625 = vector.broadcast %add3A_624 : i32 to vector<16xi32>
      %add3A_626 = arith.addi %add3A_623, %add3A_625 : vector<16xi32>
      %swap3A_627 = arith.constant 32 : index
      %swap3A_628 = tpu.vector_load %arg15[%swap3A_627] {strides = array<i32>} : memref<64xi32, #tpu.memory_space<vmem>>, vector<16xi32>,
      %swap3A_629 = vector.shape_cast %swap3A_628 : vector<16xi32> to vector<16xi32>
      %swap3A_630 = vector.shape_cast %add3A_626 : vector<16xi32> to vector<16xi32>
      tpu.vector_store %arg15[%swap3A_627], %swap3A_630 {strides = array<i32>} : memref<64xi32, #tpu.memory_space<vmem>>, vector<16xi32>,
      %add3A_631 = arith.constant 512 : i32
      %add3A_632 = vector.broadcast %add3A_631 : i32 to vector<16xi32>
      %add3A_633 = arith.addi %mul3A_483, %add3A_632 : vector<16xi32>
      %add3A_634 = arith.constant 4 : i32
      %add3A_635 = vector.broadcast %add3A_634 : i32 to vector<16xi32>
      %add3A_636 = arith.addi %add3A_633, %add3A_635 : vector<16xi32>
      %add3A_637 = arith.constant 3 : i32
      %add3A_638 = vector.broadcast %add3A_637 : i32 to vector<16xi32>
      %add3A_639 = arith.addi %add3A_636, %add3A_638 : vector<16xi32>
      %swap3A_640 = arith.constant 48 : index
      %swap3A_641 = tpu.vector_load %arg15[%swap3A_640] {strides = array<i32>} : memref<64xi32, #tpu.memory_space<vmem>>, vector<16xi32>,
      %swap3A_642 = vector.shape_cast %swap3A_641 : vector<16xi32> to vector<16xi32>
      %swap3A_643 = vector.shape_cast %add3A_639 : vector<16xi32> to vector<16xi32>
      tpu.vector_store %arg15[%swap3A_640], %swap3A_643 {strides = array<i32>} : memref<64xi32, #tpu.memory_space<vmem>>, vector<16xi32>,
      %swap3A_644 = arith.constant 0 : index
      %swap3A_645 = tpu.vector_load %arg17[%swap3A_644] {strides = array<i32>} : memref<64xf32, #tpu.memory_space<vmem>>, vector<16xf32>,
      %swap3A_646 = vector.shape_cast %swap3A_645 : vector<16xf32> to vector<16xf32>
      %swap3A_647 = vector.shape_cast %sub3A_474 : vector<16xf32> to vector<16xf32>
      tpu.vector_store %arg17[%swap3A_644], %swap3A_647 {strides = array<i32>} : memref<64xf32, #tpu.memory_space<vmem>>, vector<16xf32>,
      %swap3A_648 = arith.constant 16 : index
      %swap3A_649 = tpu.vector_load %arg17[%swap3A_648] {strides = array<i32>} : memref<64xf32, #tpu.memory_space<vmem>>, vector<16xf32>,
      %swap3A_650 = vector.shape_cast %swap3A_649 : vector<16xf32> to vector<16xf32>
      %swap3A_651 = vector.shape_cast %sub3A_476 : vector<16xf32> to vector<16xf32>
      tpu.vector_store %arg17[%swap3A_648], %swap3A_651 {strides = array<i32>} : memref<64xf32, #tpu.memory_space<vmem>>, vector<16xf32>,
      %get3A_652 = arith.constant 0 : index
      %get3A_653 = tpu.vector_load %arg16[%get3A_652] {strides = array<i32>} : memref<64xf32, #tpu.memory_space<vmem>>, vector<16xf32>,
      %get3A_654 = vector.shape_cast %get3A_653 : vector<16xf32> to vector<16xf32>
      %get3A_655 = arith.constant 16 : index
      %get3A_656 = tpu.vector_load %arg16[%get3A_655] {strides = array<i32>} : memref<64xf32, #tpu.memory_space<vmem>>, vector<16xf32>,
      %get3A_657 = vector.shape_cast %get3A_656 : vector<16xf32> to vector<16xf32>
      %dma_wait3A_658 = arith.constant 0 : i32
      %dma_wait3A_659 = arith.constant 0 : i32
      %dma_wait3A_660 = tpu.memref_slice %arg4[%dma_wait3A_658, %dma_wait3A_659] : memref<65536x256xf32, #tpu.memory_space<hbm>> -> memref<65536x256xf32, #tpu.memory_space<hbm>>
      tpu.wait_indirect_dma semaphore(%arg24 : memref<!tpu.dma_semaphore, #tpu.memory_space<semaphore_mem>>) src(%dma_wait3A_660 : memref<65536x256xf32, #tpu.memory_space<hbm>>) dst(%arg18 : memref<64x256xf32, #tpu.memory_space<vmem>>)
      %dma_start3A_661 = arith.constant 0 : i32
      %dma_start3A_662 = arith.constant 0 : i32
      %dma_start3A_663 = tpu.memref_slice %arg4[%dma_start3A_661, %dma_start3A_662] : memref<65536x256xf32, #tpu.memory_space<hbm>> -> memref<65536x256xf32, #tpu.memory_space<hbm>>
      tpu.enqueue_indirect_dma source(%dma_start3A_663 : memref<65536x256xf32, #tpu.memory_space<hbm>>) target(%arg18 : memref<64x256xf32, #tpu.memory_space<vmem>>) offsets(%arg9 : memref<64xi32, #tpu.memory_space<vmem>>) semaphore(%arg24 : memref<!tpu.dma_semaphore, #tpu.memory_space<semaphore_mem>>)
      %dma_wait3A_664 = arith.constant 0 : i32
      %dma_wait3A_665 = arith.constant 0 : i32
      %dma_wait3A_666 = tpu.memref_slice %arg4[%dma_wait3A_664, %dma_wait3A_665] : memref<65536x256xf32, #tpu.memory_space<hbm>> -> memref<65536x256xf32, #tpu.memory_space<hbm>>
      tpu.wait_indirect_dma semaphore(%arg25 : memref<!tpu.dma_semaphore, #tpu.memory_space<semaphore_mem>>) src(%dma_wait3A_666 : memref<65536x256xf32, #tpu.memory_space<hbm>>) dst(%arg19 : memref<64x256xf32, #tpu.memory_space<vmem>>)
      %dma_start3A_667 = arith.constant 0 : i32
      %dma_start3A_668 = arith.constant 0 : i32
      %dma_start3A_669 = tpu.memref_slice %arg4[%dma_start3A_667, %dma_start3A_668] : memref<65536x256xf32, #tpu.memory_space<hbm>> -> memref<65536x256xf32, #tpu.memory_space<hbm>>
      tpu.enqueue_indirect_dma source(%dma_start3A_669 : memref<65536x256xf32, #tpu.memory_space<hbm>>) target(%arg19 : memref<64x256xf32, #tpu.memory_space<vmem>>) offsets(%arg11 : memref<64xi32, #tpu.memory_space<vmem>>) semaphore(%arg25 : memref<!tpu.dma_semaphore, #tpu.memory_space<semaphore_mem>>)
      %dma_wait3A_670 = arith.constant 0 : i32
      %dma_wait3A_671 = arith.constant 0 : i32
      %dma_wait3A_672 = tpu.memref_slice %arg4[%dma_wait3A_670, %dma_wait3A_671] : memref<65536x256xf32, #tpu.memory_space<hbm>> -> memref<65536x256xf32, #tpu.memory_space<hbm>>
      tpu.wait_indirect_dma semaphore(%arg26 : memref<!tpu.dma_semaphore, #tpu.memory_space<semaphore_mem>>) src(%dma_wait3A_672 : memref<65536x256xf32, #tpu.memory_space<hbm>>) dst(%arg20 : memref<64x256xf32, #tpu.memory_space<vmem>>)
      %dma_start3A_673 = arith.constant 0 : i32
      %dma_start3A_674 = arith.constant 0 : i32
      %dma_start3A_675 = tpu.memref_slice %arg4[%dma_start3A_673, %dma_start3A_674] : memref<65536x256xf32, #tpu.memory_space<hbm>> -> memref<65536x256xf32, #tpu.memory_space<hbm>>
      tpu.enqueue_indirect_dma source(%dma_start3A_675 : memref<65536x256xf32, #tpu.memory_space<hbm>>) target(%arg20 : memref<64x256xf32, #tpu.memory_space<vmem>>) offsets(%arg13 : memref<64xi32, #tpu.memory_space<vmem>>) semaphore(%arg26 : memref<!tpu.dma_semaphore, #tpu.memory_space<semaphore_mem>>)
      %dma_wait3A_676 = arith.constant 0 : i32
      %dma_wait3A_677 = arith.constant 0 : i32
      %dma_wait3A_678 = tpu.memref_slice %arg4[%dma_wait3A_676, %dma_wait3A_677] : memref<65536x256xf32, #tpu.memory_space<hbm>> -> memref<65536x256xf32, #tpu.memory_space<hbm>>
      tpu.wait_indirect_dma semaphore(%arg27 : memref<!tpu.dma_semaphore, #tpu.memory_space<semaphore_mem>>) src(%dma_wait3A_678 : memref<65536x256xf32, #tpu.memory_space<hbm>>) dst(%arg21 : memref<64x256xf32, #tpu.memory_space<vmem>>)
      %dma_start3A_679 = arith.constant 0 : i32
      %dma_start3A_680 = arith.constant 0 : i32
      %dma_start3A_681 = tpu.memref_slice %arg4[%dma_start3A_679, %dma_start3A_680] : memref<65536x256xf32, #tpu.memory_space<hbm>> -> memref<65536x256xf32, #tpu.memory_space<hbm>>
      tpu.enqueue_indirect_dma source(%dma_start3A_681 : memref<65536x256xf32, #tpu.memory_space<hbm>>) target(%arg21 : memref<64x256xf32, #tpu.memory_space<vmem>>) offsets(%arg15 : memref<64xi32, #tpu.memory_space<vmem>>) semaphore(%arg27 : memref<!tpu.dma_semaphore, #tpu.memory_space<semaphore_mem>>)
      %mul3A_682 = arith.constant 16 : i32
      %mul3A_683 = arith.muli %add3A_450, %mul3A_682 : i32
      %add3A_684 = arith.addi %mul3A_2, %mul3A_683 : i32
      %dma_start3A_685 = arith.constant 0 : i32
      %dma_start3A_686 = tpu.memref_slice %arg5[%add3A_684, %dma_start3A_685] : memref<262144x1024xf32, #tpu.memory_space<hbm>> -> memref<16x1024xf32, #tpu.memory_space<hbm>>
      %dma_start3A_687 = arith.constant 0 : i32
      %dma_start3A_688 = tpu.memref_slice %arg5[%add3A_684, %dma_start3A_687] : memref<262144x1024xf32, #tpu.memory_space<hbm>> -> memref<16x1024xf32, #tpu.memory_space<hbm>>
      tpu.enqueue_dma source(%arg22 : memref<16x1024xf32, #tpu.memory_space<vmem>>) target(%dma_start3A_688 : memref<16x1024xf32, #tpu.memory_space<hbm>>) target_semaphore(%arg28 : memref<!tpu.dma_semaphore, #tpu.memory_space<semaphore_mem>>)
      %mul3A_689 = arith.constant 2 : i32
      %mul3A_690 = arith.muli %scan3A_445, %mul3A_689 : i32
      %add3A_691 = arith.constant 1 : i32
      %add3A_692 = arith.addi %mul3A_690, %add3A_691 : i32
      %ge3A_693 = arith.constant 2 : i32
      %ge3A_694 = arith.cmpi sge, %add3A_692, %ge3A_693 : i32
      %convert_element_type3A_695 = arith.extui %ge3A_694 : i1 to i32
      %cond3A_696 = arith.constant 0 : i32
      %cond3A_697 = arith.cmpi ne, %convert_element_type3A_695, %cond3A_696 : i32
      scf.if %cond3A_697 {
        %dma_wait3A_937 = arith.constant 0 : i32
        %dma_wait3A_938 = tpu.memref_slice %arg5[%mul3A_2, %dma_wait3A_937] : memref<262144x1024xf32, #tpu.memory_space<hbm>> -> memref<16x1024xf32, #tpu.memory_space<hbm>>
        %dma_wait3A_939 = arith.constant 0 : i32
        %dma_wait3A_940 = tpu.memref_slice %arg5[%mul3A_2, %dma_wait3A_939] : memref<262144x1024xf32, #tpu.memory_space<hbm>> -> memref<16x1024xf32, #tpu.memory_space<hbm>>
        tpu.wait_dma2 semaphore(%arg28 : memref<!tpu.dma_semaphore, #tpu.memory_space<semaphore_mem>>) src(%arg23 : memref<16x1024xf32, #tpu.memory_space<vmem>>) dst(%dma_wait3A_940 : memref<16x1024xf32, #tpu.memory_space<hbm>>)
      } else {
      }
      %eq3A_698 = arith.constant 511 : i32
      %eq3A_699 = arith.cmpi eq, %add3A_692, %eq3A_698 : i32
      %add3A_700 = arith.constant 1 : i32
      %add3A_701 = arith.addi %add3A_692, %add3A_700 : i32
      %jit3A_702 = arith.constant 0 : i32
      %select_n3A_703 = arith.select %eq3A_699, %jit3A_702, %add3A_701 : i32
      %mul3A_704 = arith.constant 16 : i32
      %mul3A_705 = arith.muli %select_n3A_703, %mul3A_704 : i32
      %get3A_706 = arith.index_cast %mul3A_705 : i32 to index
      %get3A_707 = tpu.vector_load %arg6[%get3A_706] {strides = array<i32>} : memref<8192xf32, #tpu.memory_space<vmem>>, vector<16xf32>,
      %get3A_708 = vector.shape_cast %get3A_707 : vector<16xf32> to vector<16xf32>
      %mul3A_709 = arith.constant 1.270000e+02 : f32
      %mul3A_710 = vector.broadcast %mul3A_709 : f32 to vector<16xf32>
      %mul3A_711 = arith.mulf %get3A_708, %mul3A_710 : vector<16xf32>
      %get3A_712 = arith.index_cast %mul3A_705 : i32 to index
      %get3A_713 = tpu.vector_load %arg7[%get3A_712] {strides = array<i32>} : memref<8192xf32, #tpu.memory_space<vmem>>, vector<16xf32>,
      %get3A_714 = vector.shape_cast %get3A_713 : vector<16xf32> to vector<16xf32>
      %mul3A_715 = arith.constant 1.270000e+02 : f32
      %mul3A_716 = vector.broadcast %mul3A_715 : f32 to vector<16xf32>
      %mul3A_717 = arith.mulf %get3A_714, %mul3A_716 : vector<16xf32>
      %convert_element_type3A_718 = arith.fptosi %mul3A_711 : vector<16xf32> to vector<16xi32>
      %convert_element_type3A_719 = arith.fptosi %mul3A_717 : vector<16xf32> to vector<16xi32>
      %convert_element_type3A_720 = arith.sitofp %convert_element_type3A_718 : vector<16xi32> to vector<16xf32>
      %sub3A_721 = arith.subf %mul3A_711, %convert_element_type3A_720 : vector<16xf32>
      %convert_element_type3A_722 = arith.sitofp %convert_element_type3A_719 : vector<16xi32> to vector<16xf32>
      %sub3A_723 = arith.subf %mul3A_717, %convert_element_type3A_722 : vector<16xf32>
      %mul3A_724 = arith.constant 128 : i32
      %mul3A_725 = vector.broadcast %mul3A_724 : i32 to vector<16xi32>
      %mul3A_726 = arith.muli %convert_element_type3A_718, %mul3A_725 : vector<16xi32>
      %add3A_727 = arith.addi %mul3A_726, %convert_element_type3A_719 : vector<16xi32>
      %mul3A_728 = arith.constant 4 : i32
      %mul3A_729 = vector.broadcast %mul3A_728 : i32 to vector<16xi32>
      %mul3A_730 = arith.muli %add3A_727, %mul3A_729 : vector<16xi32>
      %add3A_731 = arith.constant 0 : i32
      %add3A_732 = vector.broadcast %add3A_731 : i32 to vector<16xi32>
      %add3A_733 = arith.addi %mul3A_730, %add3A_732 : vector<16xi32>
      %swap3A_734 = arith.constant 0 : index
      %swap3A_735 = tpu.vector_load %arg8[%swap3A_734] {strides = array<i32>} : memref<64xi32, #tpu.memory_space<vmem>>, vector<16xi32>,
      %swap3A_736 = vector.shape_cast %swap3A_735 : vector<16xi32> to vector<16xi32>
      %swap3A_737 = vector.shape_cast %add3A_733 : vector<16xi32> to vector<16xi32>
      tpu.vector_store %arg8[%swap3A_734], %swap3A_737 {strides = array<i32>} : memref<64xi32, #tpu.memory_space<vmem>>, vector<16xi32>,
      %add3A_738 = arith.constant 512 : i32
      %add3A_739 = vector.broadcast %add3A_738 : i32 to vector<16xi32>
      %add3A_740 = arith.addi %mul3A_730, %add3A_739 : vector<16xi32>
      %add3A_741 = arith.constant 0 : i32
      %add3A_742 = vector.broadcast %add3A_741 : i32 to vector<16xi32>
      %add3A_743 = arith.addi %add3A_740, %add3A_742 : vector<16xi32>
      %swap3A_744 = arith.constant 16 : index
      %swap3A_745 = tpu.vector_load %arg8[%swap3A_744] {strides = array<i32>} : memref<64xi32, #tpu.memory_space<vmem>>, vector<16xi32>,
      %swap3A_746 = vector.shape_cast %swap3A_745 : vector<16xi32> to vector<16xi32>
      %swap3A_747 = vector.shape_cast %add3A_743 : vector<16xi32> to vector<16xi32>
      tpu.vector_store %arg8[%swap3A_744], %swap3A_747 {strides = array<i32>} : memref<64xi32, #tpu.memory_space<vmem>>, vector<16xi32>,
      %add3A_748 = arith.constant 4 : i32
      %add3A_749 = vector.broadcast %add3A_748 : i32 to vector<16xi32>
      %add3A_750 = arith.addi %mul3A_730, %add3A_749 : vector<16xi32>
      %add3A_751 = arith.constant 0 : i32
      %add3A_752 = vector.broadcast %add3A_751 : i32 to vector<16xi32>
      %add3A_753 = arith.addi %add3A_750, %add3A_752 : vector<16xi32>
      %swap3A_754 = arith.constant 32 : index
      %swap3A_755 = tpu.vector_load %arg8[%swap3A_754] {strides = array<i32>} : memref<64xi32, #tpu.memory_space<vmem>>, vector<16xi32>,
      %swap3A_756 = vector.shape_cast %swap3A_755 : vector<16xi32> to vector<16xi32>
      %swap3A_757 = vector.shape_cast %add3A_753 : vector<16xi32> to vector<16xi32>
      tpu.vector_store %arg8[%swap3A_754], %swap3A_757 {strides = array<i32>} : memref<64xi32, #tpu.memory_space<vmem>>, vector<16xi32>,
      %add3A_758 = arith.constant 512 : i32
      %add3A_759 = vector.broadcast %add3A_758 : i32 to vector<16xi32>
      %add3A_760 = arith.addi %mul3A_730, %add3A_759 : vector<16xi32>
      %add3A_761 = arith.constant 4 : i32
      %add3A_762 = vector.broadcast %add3A_761 : i32 to vector<16xi32>
      %add3A_763 = arith.addi %add3A_760, %add3A_762 : vector<16xi32>
      %add3A_764 = arith.constant 0 : i32
      %add3A_765 = vector.broadcast %add3A_764 : i32 to vector<16xi32>
      %add3A_766 = arith.addi %add3A_763, %add3A_765 : vector<16xi32>
      %swap3A_767 = arith.constant 48 : index
      %swap3A_768 = tpu.vector_load %arg8[%swap3A_767] {strides = array<i32>} : memref<64xi32, #tpu.memory_space<vmem>>, vector<16xi32>,
      %swap3A_769 = vector.shape_cast %swap3A_768 : vector<16xi32> to vector<16xi32>
      %swap3A_770 = vector.shape_cast %add3A_766 : vector<16xi32> to vector<16xi32>
      tpu.vector_store %arg8[%swap3A_767], %swap3A_770 {strides = array<i32>} : memref<64xi32, #tpu.memory_space<vmem>>, vector<16xi32>,
      %add3A_771 = arith.constant 1 : i32
      %add3A_772 = vector.broadcast %add3A_771 : i32 to vector<16xi32>
      %add3A_773 = arith.addi %mul3A_730, %add3A_772 : vector<16xi32>
      %swap3A_774 = arith.constant 0 : index
      %swap3A_775 = tpu.vector_load %arg10[%swap3A_774] {strides = array<i32>} : memref<64xi32, #tpu.memory_space<vmem>>, vector<16xi32>,
      %swap3A_776 = vector.shape_cast %swap3A_775 : vector<16xi32> to vector<16xi32>
      %swap3A_777 = vector.shape_cast %add3A_773 : vector<16xi32> to vector<16xi32>
      tpu.vector_store %arg10[%swap3A_774], %swap3A_777 {strides = array<i32>} : memref<64xi32, #tpu.memory_space<vmem>>, vector<16xi32>,
      %add3A_778 = arith.constant 512 : i32
      %add3A_779 = vector.broadcast %add3A_778 : i32 to vector<16xi32>
      %add3A_780 = arith.addi %mul3A_730, %add3A_779 : vector<16xi32>
      %add3A_781 = arith.constant 1 : i32
      %add3A_782 = vector.broadcast %add3A_781 : i32 to vector<16xi32>
      %add3A_783 = arith.addi %add3A_780, %add3A_782 : vector<16xi32>
      %swap3A_784 = arith.constant 16 : index
      %swap3A_785 = tpu.vector_load %arg10[%swap3A_784] {strides = array<i32>} : memref<64xi32, #tpu.memory_space<vmem>>, vector<16xi32>,
      %swap3A_786 = vector.shape_cast %swap3A_785 : vector<16xi32> to vector<16xi32>
      %swap3A_787 = vector.shape_cast %add3A_783 : vector<16xi32> to vector<16xi32>
      tpu.vector_store %arg10[%swap3A_784], %swap3A_787 {strides = array<i32>} : memref<64xi32, #tpu.memory_space<vmem>>, vector<16xi32>,
      %add3A_788 = arith.constant 4 : i32
      %add3A_789 = vector.broadcast %add3A_788 : i32 to vector<16xi32>
      %add3A_790 = arith.addi %mul3A_730, %add3A_789 : vector<16xi32>
      %add3A_791 = arith.constant 1 : i32
      %add3A_792 = vector.broadcast %add3A_791 : i32 to vector<16xi32>
      %add3A_793 = arith.addi %add3A_790, %add3A_792 : vector<16xi32>
      %swap3A_794 = arith.constant 32 : index
      %swap3A_795 = tpu.vector_load %arg10[%swap3A_794] {strides = array<i32>} : memref<64xi32, #tpu.memory_space<vmem>>, vector<16xi32>,
      %swap3A_796 = vector.shape_cast %swap3A_795 : vector<16xi32> to vector<16xi32>
      %swap3A_797 = vector.shape_cast %add3A_793 : vector<16xi32> to vector<16xi32>
      tpu.vector_store %arg10[%swap3A_794], %swap3A_797 {strides = array<i32>} : memref<64xi32, #tpu.memory_space<vmem>>, vector<16xi32>,
      %add3A_798 = arith.constant 512 : i32
      %add3A_799 = vector.broadcast %add3A_798 : i32 to vector<16xi32>
      %add3A_800 = arith.addi %mul3A_730, %add3A_799 : vector<16xi32>
      %add3A_801 = arith.constant 4 : i32
      %add3A_802 = vector.broadcast %add3A_801 : i32 to vector<16xi32>
      %add3A_803 = arith.addi %add3A_800, %add3A_802 : vector<16xi32>
      %add3A_804 = arith.constant 1 : i32
      %add3A_805 = vector.broadcast %add3A_804 : i32 to vector<16xi32>
      %add3A_806 = arith.addi %add3A_803, %add3A_805 : vector<16xi32>
      %swap3A_807 = arith.constant 48 : index
      %swap3A_808 = tpu.vector_load %arg10[%swap3A_807] {strides = array<i32>} : memref<64xi32, #tpu.memory_space<vmem>>, vector<16xi32>,
      %swap3A_809 = vector.shape_cast %swap3A_808 : vector<16xi32> to vector<16xi32>
      %swap3A_810 = vector.shape_cast %add3A_806 : vector<16xi32> to vector<16xi32>
      tpu.vector_store %arg10[%swap3A_807], %swap3A_810 {strides = array<i32>} : memref<64xi32, #tpu.memory_space<vmem>>, vector<16xi32>,
      %add3A_811 = arith.constant 2 : i32
      %add3A_812 = vector.broadcast %add3A_811 : i32 to vector<16xi32>
      %add3A_813 = arith.addi %mul3A_730, %add3A_812 : vector<16xi32>
      %swap3A_814 = arith.constant 0 : index
      %swap3A_815 = tpu.vector_load %arg12[%swap3A_814] {strides = array<i32>} : memref<64xi32, #tpu.memory_space<vmem>>, vector<16xi32>,
      %swap3A_816 = vector.shape_cast %swap3A_815 : vector<16xi32> to vector<16xi32>
      %swap3A_817 = vector.shape_cast %add3A_813 : vector<16xi32> to vector<16xi32>
      tpu.vector_store %arg12[%swap3A_814], %swap3A_817 {strides = array<i32>} : memref<64xi32, #tpu.memory_space<vmem>>, vector<16xi32>,
      %add3A_818 = arith.constant 512 : i32
      %add3A_819 = vector.broadcast %add3A_818 : i32 to vector<16xi32>
      %add3A_820 = arith.addi %mul3A_730, %add3A_819 : vector<16xi32>
      %add3A_821 = arith.constant 2 : i32
      %add3A_822 = vector.broadcast %add3A_821 : i32 to vector<16xi32>
      %add3A_823 = arith.addi %add3A_820, %add3A_822 : vector<16xi32>
      %swap3A_824 = arith.constant 16 : index
      %swap3A_825 = tpu.vector_load %arg12[%swap3A_824] {strides = array<i32>} : memref<64xi32, #tpu.memory_space<vmem>>, vector<16xi32>,
      %swap3A_826 = vector.shape_cast %swap3A_825 : vector<16xi32> to vector<16xi32>
      %swap3A_827 = vector.shape_cast %add3A_823 : vector<16xi32> to vector<16xi32>
      tpu.vector_store %arg12[%swap3A_824], %swap3A_827 {strides = array<i32>} : memref<64xi32, #tpu.memory_space<vmem>>, vector<16xi32>,
      %add3A_828 = arith.constant 4 : i32
      %add3A_829 = vector.broadcast %add3A_828 : i32 to vector<16xi32>
      %add3A_830 = arith.addi %mul3A_730, %add3A_829 : vector<16xi32>
      %add3A_831 = arith.constant 2 : i32
      %add3A_832 = vector.broadcast %add3A_831 : i32 to vector<16xi32>
      %add3A_833 = arith.addi %add3A_830, %add3A_832 : vector<16xi32>
      %swap3A_834 = arith.constant 32 : index
      %swap3A_835 = tpu.vector_load %arg12[%swap3A_834] {strides = array<i32>} : memref<64xi32, #tpu.memory_space<vmem>>, vector<16xi32>,
      %swap3A_836 = vector.shape_cast %swap3A_835 : vector<16xi32> to vector<16xi32>
      %swap3A_837 = vector.shape_cast %add3A_833 : vector<16xi32> to vector<16xi32>
      tpu.vector_store %arg12[%swap3A_834], %swap3A_837 {strides = array<i32>} : memref<64xi32, #tpu.memory_space<vmem>>, vector<16xi32>,
      %add3A_838 = arith.constant 512 : i32
      %add3A_839 = vector.broadcast %add3A_838 : i32 to vector<16xi32>
      %add3A_840 = arith.addi %mul3A_730, %add3A_839 : vector<16xi32>
      %add3A_841 = arith.constant 4 : i32
      %add3A_842 = vector.broadcast %add3A_841 : i32 to vector<16xi32>
      %add3A_843 = arith.addi %add3A_840, %add3A_842 : vector<16xi32>
      %add3A_844 = arith.constant 2 : i32
      %add3A_845 = vector.broadcast %add3A_844 : i32 to vector<16xi32>
      %add3A_846 = arith.addi %add3A_843, %add3A_845 : vector<16xi32>
      %swap3A_847 = arith.constant 48 : index
      %swap3A_848 = tpu.vector_load %arg12[%swap3A_847] {strides = array<i32>} : memref<64xi32, #tpu.memory_space<vmem>>, vector<16xi32>,
      %swap3A_849 = vector.shape_cast %swap3A_848 : vector<16xi32> to vector<16xi32>
      %swap3A_850 = vector.shape_cast %add3A_846 : vector<16xi32> to vector<16xi32>
      tpu.vector_store %arg12[%swap3A_847], %swap3A_850 {strides = array<i32>} : memref<64xi32, #tpu.memory_space<vmem>>, vector<16xi32>,
      %add3A_851 = arith.constant 3 : i32
      %add3A_852 = vector.broadcast %add3A_851 : i32 to vector<16xi32>
      %add3A_853 = arith.addi %mul3A_730, %add3A_852 : vector<16xi32>
      %swap3A_854 = arith.constant 0 : index
      %swap3A_855 = tpu.vector_load %arg14[%swap3A_854] {strides = array<i32>} : memref<64xi32, #tpu.memory_space<vmem>>, vector<16xi32>,
      %swap3A_856 = vector.shape_cast %swap3A_855 : vector<16xi32> to vector<16xi32>
      %swap3A_857 = vector.shape_cast %add3A_853 : vector<16xi32> to vector<16xi32>
      tpu.vector_store %arg14[%swap3A_854], %swap3A_857 {strides = array<i32>} : memref<64xi32, #tpu.memory_space<vmem>>, vector<16xi32>,
      %add3A_858 = arith.constant 512 : i32
      %add3A_859 = vector.broadcast %add3A_858 : i32 to vector<16xi32>
      %add3A_860 = arith.addi %mul3A_730, %add3A_859 : vector<16xi32>
      %add3A_861 = arith.constant 3 : i32
      %add3A_862 = vector.broadcast %add3A_861 : i32 to vector<16xi32>
      %add3A_863 = arith.addi %add3A_860, %add3A_862 : vector<16xi32>
      %swap3A_864 = arith.constant 16 : index
      %swap3A_865 = tpu.vector_load %arg14[%swap3A_864] {strides = array<i32>} : memref<64xi32, #tpu.memory_space<vmem>>, vector<16xi32>,
      %swap3A_866 = vector.shape_cast %swap3A_865 : vector<16xi32> to vector<16xi32>
      %swap3A_867 = vector.shape_cast %add3A_863 : vector<16xi32> to vector<16xi32>
      tpu.vector_store %arg14[%swap3A_864], %swap3A_867 {strides = array<i32>} : memref<64xi32, #tpu.memory_space<vmem>>, vector<16xi32>,
      %add3A_868 = arith.constant 4 : i32
      %add3A_869 = vector.broadcast %add3A_868 : i32 to vector<16xi32>
      %add3A_870 = arith.addi %mul3A_730, %add3A_869 : vector<16xi32>
      %add3A_871 = arith.constant 3 : i32
      %add3A_872 = vector.broadcast %add3A_871 : i32 to vector<16xi32>
      %add3A_873 = arith.addi %add3A_870, %add3A_872 : vector<16xi32>
      %swap3A_874 = arith.constant 32 : index
      %swap3A_875 = tpu.vector_load %arg14[%swap3A_874] {strides = array<i32>} : memref<64xi32, #tpu.memory_space<vmem>>, vector<16xi32>,
      %swap3A_876 = vector.shape_cast %swap3A_875 : vector<16xi32> to vector<16xi32>
      %swap3A_877 = vector.shape_cast %add3A_873 : vector<16xi32> to vector<16xi32>
      tpu.vector_store %arg14[%swap3A_874], %swap3A_877 {strides = array<i32>} : memref<64xi32, #tpu.memory_space<vmem>>, vector<16xi32>,
      %add3A_878 = arith.constant 512 : i32
      %add3A_879 = vector.broadcast %add3A_878 : i32 to vector<16xi32>
      %add3A_880 = arith.addi %mul3A_730, %add3A_879 : vector<16xi32>
      %add3A_881 = arith.constant 4 : i32
      %add3A_882 = vector.broadcast %add3A_881 : i32 to vector<16xi32>
      %add3A_883 = arith.addi %add3A_880, %add3A_882 : vector<16xi32>
      %add3A_884 = arith.constant 3 : i32
      %add3A_885 = vector.broadcast %add3A_884 : i32 to vector<16xi32>
      %add3A_886 = arith.addi %add3A_883, %add3A_885 : vector<16xi32>
      %swap3A_887 = arith.constant 48 : index
      %swap3A_888 = tpu.vector_load %arg14[%swap3A_887] {strides = array<i32>} : memref<64xi32, #tpu.memory_space<vmem>>, vector<16xi32>,
      %swap3A_889 = vector.shape_cast %swap3A_888 : vector<16xi32> to vector<16xi32>
      %swap3A_890 = vector.shape_cast %add3A_886 : vector<16xi32> to vector<16xi32>
      tpu.vector_store %arg14[%swap3A_887], %swap3A_890 {strides = array<i32>} : memref<64xi32, #tpu.memory_space<vmem>>, vector<16xi32>,
      %swap3A_891 = arith.constant 0 : index
      %swap3A_892 = tpu.vector_load %arg16[%swap3A_891] {strides = array<i32>} : memref<64xf32, #tpu.memory_space<vmem>>, vector<16xf32>,
      %swap3A_893 = vector.shape_cast %swap3A_892 : vector<16xf32> to vector<16xf32>
      %swap3A_894 = vector.shape_cast %sub3A_721 : vector<16xf32> to vector<16xf32>
      tpu.vector_store %arg16[%swap3A_891], %swap3A_894 {strides = array<i32>} : memref<64xf32, #tpu.memory_space<vmem>>, vector<16xf32>,
      %swap3A_895 = arith.constant 16 : index
      %swap3A_896 = tpu.vector_load %arg16[%swap3A_895] {strides = array<i32>} : memref<64xf32, #tpu.memory_space<vmem>>, vector<16xf32>,
      %swap3A_897 = vector.shape_cast %swap3A_896 : vector<16xf32> to vector<16xf32>
      %swap3A_898 = vector.shape_cast %sub3A_723 : vector<16xf32> to vector<16xf32>
      tpu.vector_store %arg16[%swap3A_895], %swap3A_898 {strides = array<i32>} : memref<64xf32, #tpu.memory_space<vmem>>, vector<16xf32>,
      %get3A_899 = arith.constant 0 : index
      %get3A_900 = tpu.vector_load %arg17[%get3A_899] {strides = array<i32>} : memref<64xf32, #tpu.memory_space<vmem>>, vector<16xf32>,
      %get3A_901 = vector.shape_cast %get3A_900 : vector<16xf32> to vector<16xf32>
      %get3A_902 = arith.constant 16 : index
      %get3A_903 = tpu.vector_load %arg17[%get3A_902] {strides = array<i32>} : memref<64xf32, #tpu.memory_space<vmem>>, vector<16xf32>,
      %get3A_904 = vector.shape_cast %get3A_903 : vector<16xf32> to vector<16xf32>
      %dma_wait3A_905 = arith.constant 0 : i32
      %dma_wait3A_906 = arith.constant 0 : i32
      %dma_wait3A_907 = tpu.memref_slice %arg4[%dma_wait3A_905, %dma_wait3A_906] : memref<65536x256xf32, #tpu.memory_space<hbm>> -> memref<65536x256xf32, #tpu.memory_space<hbm>>
      tpu.wait_indirect_dma semaphore(%arg24 : memref<!tpu.dma_semaphore, #tpu.memory_space<semaphore_mem>>) src(%dma_wait3A_907 : memref<65536x256xf32, #tpu.memory_space<hbm>>) dst(%arg18 : memref<64x256xf32, #tpu.memory_space<vmem>>)
      %dma_start3A_908 = arith.constant 0 : i32
      %dma_start3A_909 = arith.constant 0 : i32
      %dma_start3A_910 = tpu.memref_slice %arg4[%dma_start3A_908, %dma_start3A_909] : memref<65536x256xf32, #tpu.memory_space<hbm>> -> memref<65536x256xf32, #tpu.memory_space<hbm>>
      tpu.enqueue_indirect_dma source(%dma_start3A_910 : memref<65536x256xf32, #tpu.memory_space<hbm>>) target(%arg18 : memref<64x256xf32, #tpu.memory_space<vmem>>) offsets(%arg8 : memref<64xi32, #tpu.memory_space<vmem>>) semaphore(%arg24 : memref<!tpu.dma_semaphore, #tpu.memory_space<semaphore_mem>>)
      %dma_wait3A_911 = arith.constant 0 : i32
      %dma_wait3A_912 = arith.constant 0 : i32
      %dma_wait3A_913 = tpu.memref_slice %arg4[%dma_wait3A_911, %dma_wait3A_912] : memref<65536x256xf32, #tpu.memory_space<hbm>> -> memref<65536x256xf32, #tpu.memory_space<hbm>>
      tpu.wait_indirect_dma semaphore(%arg25 : memref<!tpu.dma_semaphore, #tpu.memory_space<semaphore_mem>>) src(%dma_wait3A_913 : memref<65536x256xf32, #tpu.memory_space<hbm>>) dst(%arg19 : memref<64x256xf32, #tpu.memory_space<vmem>>)
      %dma_start3A_914 = arith.constant 0 : i32
      %dma_start3A_915 = arith.constant 0 : i32
      %dma_start3A_916 = tpu.memref_slice %arg4[%dma_start3A_914, %dma_start3A_915] : memref<65536x256xf32, #tpu.memory_space<hbm>> -> memref<65536x256xf32, #tpu.memory_space<hbm>>
      tpu.enqueue_indirect_dma source(%dma_start3A_916 : memref<65536x256xf32, #tpu.memory_space<hbm>>) target(%arg19 : memref<64x256xf32, #tpu.memory_space<vmem>>) offsets(%arg10 : memref<64xi32, #tpu.memory_space<vmem>>) semaphore(%arg25 : memref<!tpu.dma_semaphore, #tpu.memory_space<semaphore_mem>>)
      %dma_wait3A_917 = arith.constant 0 : i32
      %dma_wait3A_918 = arith.constant 0 : i32
      %dma_wait3A_919 = tpu.memref_slice %arg4[%dma_wait3A_917, %dma_wait3A_918] : memref<65536x256xf32, #tpu.memory_space<hbm>> -> memref<65536x256xf32, #tpu.memory_space<hbm>>
      tpu.wait_indirect_dma semaphore(%arg26 : memref<!tpu.dma_semaphore, #tpu.memory_space<semaphore_mem>>) src(%dma_wait3A_919 : memref<65536x256xf32, #tpu.memory_space<hbm>>) dst(%arg20 : memref<64x256xf32, #tpu.memory_space<vmem>>)
      %dma_start3A_920 = arith.constant 0 : i32
      %dma_start3A_921 = arith.constant 0 : i32
      %dma_start3A_922 = tpu.memref_slice %arg4[%dma_start3A_920, %dma_start3A_921] : memref<65536x256xf32, #tpu.memory_space<hbm>> -> memref<65536x256xf32, #tpu.memory_space<hbm>>
      tpu.enqueue_indirect_dma source(%dma_start3A_922 : memref<65536x256xf32, #tpu.memory_space<hbm>>) target(%arg20 : memref<64x256xf32, #tpu.memory_space<vmem>>) offsets(%arg12 : memref<64xi32, #tpu.memory_space<vmem>>) semaphore(%arg26 : memref<!tpu.dma_semaphore, #tpu.memory_space<semaphore_mem>>)
      %dma_wait3A_923 = arith.constant 0 : i32
      %dma_wait3A_924 = arith.constant 0 : i32
      %dma_wait3A_925 = tpu.memref_slice %arg4[%dma_wait3A_923, %dma_wait3A_924] : memref<65536x256xf32, #tpu.memory_space<hbm>> -> memref<65536x256xf32, #tpu.memory_space<hbm>>
      tpu.wait_indirect_dma semaphore(%arg27 : memref<!tpu.dma_semaphore, #tpu.memory_space<semaphore_mem>>) src(%dma_wait3A_925 : memref<65536x256xf32, #tpu.memory_space<hbm>>) dst(%arg21 : memref<64x256xf32, #tpu.memory_space<vmem>>)
      %dma_start3A_926 = arith.constant 0 : i32
      %dma_start3A_927 = arith.constant 0 : i32
      %dma_start3A_928 = tpu.memref_slice %arg4[%dma_start3A_926, %dma_start3A_927] : memref<65536x256xf32, #tpu.memory_space<hbm>> -> memref<65536x256xf32, #tpu.memory_space<hbm>>
      tpu.enqueue_indirect_dma source(%dma_start3A_928 : memref<65536x256xf32, #tpu.memory_space<hbm>>) target(%arg21 : memref<64x256xf32, #tpu.memory_space<vmem>>) offsets(%arg14 : memref<64xi32, #tpu.memory_space<vmem>>) semaphore(%arg27 : memref<!tpu.dma_semaphore, #tpu.memory_space<semaphore_mem>>)
      %mul3A_929 = arith.constant 16 : i32
      %mul3A_930 = arith.muli %add3A_692, %mul3A_929 : i32
      %add3A_931 = arith.addi %mul3A_2, %mul3A_930 : i32
      %dma_start3A_932 = arith.constant 0 : i32
      %dma_start3A_933 = tpu.memref_slice %arg5[%add3A_931, %dma_start3A_932] : memref<262144x1024xf32, #tpu.memory_space<hbm>> -> memref<16x1024xf32, #tpu.memory_space<hbm>>
      %dma_start3A_934 = arith.constant 0 : i32
      %dma_start3A_935 = tpu.memref_slice %arg5[%add3A_931, %dma_start3A_934] : memref<262144x1024xf32, #tpu.memory_space<hbm>> -> memref<16x1024xf32, #tpu.memory_space<hbm>>
      tpu.enqueue_dma source(%arg23 : memref<16x1024xf32, #tpu.memory_space<vmem>>) target(%dma_start3A_935 : memref<16x1024xf32, #tpu.memory_space<hbm>>) target_semaphore(%arg28 : memref<!tpu.dma_semaphore, #tpu.memory_space<semaphore_mem>>)
      %scan3A_936 = arith.constant 0 : i32
      scf.yield %scan3A_936 : i32
    }
    %scan3A_413 = arith.constant 256 : i32
    %dma_wait3A = arith.constant 0 : i32
    %dma_wait3A_414 = arith.constant 0 : i32
    %dma_wait3A_415 = tpu.memref_slice %arg4[%dma_wait3A, %dma_wait3A_414] : memref<65536x256xf32, #tpu.memory_space<hbm>> -> memref<65536x256xf32, #tpu.memory_space<hbm>>
    tpu.wait_indirect_dma semaphore(%arg24 : memref<!tpu.dma_semaphore, #tpu.memory_space<semaphore_mem>>) src(%dma_wait3A_415 : memref<65536x256xf32, #tpu.memory_space<hbm>>) dst(%arg18 : memref<64x256xf32, #tpu.memory_space<vmem>>)
    %dma_wait3A_416 = arith.constant 0 : i32
    %dma_wait3A_417 = arith.constant 0 : i32
    %dma_wait3A_418 = tpu.memref_slice %arg4[%dma_wait3A_416, %dma_wait3A_417] : memref<65536x256xf32, #tpu.memory_space<hbm>> -> memref<65536x256xf32, #tpu.memory_space<hbm>>
    tpu.wait_indirect_dma semaphore(%arg24 : memref<!tpu.dma_semaphore, #tpu.memory_space<semaphore_mem>>) src(%dma_wait3A_418 : memref<65536x256xf32, #tpu.memory_space<hbm>>) dst(%arg18 : memref<64x256xf32, #tpu.memory_space<vmem>>)
    %dma_wait3A_419 = arith.constant 0 : i32
    %dma_wait3A_420 = arith.constant 0 : i32
    %dma_wait3A_421 = tpu.memref_slice %arg4[%dma_wait3A_419, %dma_wait3A_420] : memref<65536x256xf32, #tpu.memory_space<hbm>> -> memref<65536x256xf32, #tpu.memory_space<hbm>>
    tpu.wait_indirect_dma semaphore(%arg25 : memref<!tpu.dma_semaphore, #tpu.memory_space<semaphore_mem>>) src(%dma_wait3A_421 : memref<65536x256xf32, #tpu.memory_space<hbm>>) dst(%arg19 : memref<64x256xf32, #tpu.memory_space<vmem>>)
    %dma_wait3A_422 = arith.constant 0 : i32
    %dma_wait3A_423 = arith.constant 0 : i32
    %dma_wait3A_424 = tpu.memref_slice %arg4[%dma_wait3A_422, %dma_wait3A_423] : memref<65536x256xf32, #tpu.memory_space<hbm>> -> memref<65536x256xf32, #tpu.memory_space<hbm>>
    tpu.wait_indirect_dma semaphore(%arg25 : memref<!tpu.dma_semaphore, #tpu.memory_space<semaphore_mem>>) src(%dma_wait3A_424 : memref<65536x256xf32, #tpu.memory_space<hbm>>) dst(%arg19 : memref<64x256xf32, #tpu.memory_space<vmem>>)
    %dma_wait3A_425 = arith.constant 0 : i32
    %dma_wait3A_426 = arith.constant 0 : i32
    %dma_wait3A_427 = tpu.memref_slice %arg4[%dma_wait3A_425, %dma_wait3A_426] : memref<65536x256xf32, #tpu.memory_space<hbm>> -> memref<65536x256xf32, #tpu.memory_space<hbm>>
    tpu.wait_indirect_dma semaphore(%arg26 : memref<!tpu.dma_semaphore, #tpu.memory_space<semaphore_mem>>) src(%dma_wait3A_427 : memref<65536x256xf32, #tpu.memory_space<hbm>>) dst(%arg20 : memref<64x256xf32, #tpu.memory_space<vmem>>)
    %dma_wait3A_428 = arith.constant 0 : i32
    %dma_wait3A_429 = arith.constant 0 : i32
    %dma_wait3A_430 = tpu.memref_slice %arg4[%dma_wait3A_428, %dma_wait3A_429] : memref<65536x256xf32, #tpu.memory_space<hbm>> -> memref<65536x256xf32, #tpu.memory_space<hbm>>
    tpu.wait_indirect_dma semaphore(%arg26 : memref<!tpu.dma_semaphore, #tpu.memory_space<semaphore_mem>>) src(%dma_wait3A_430 : memref<65536x256xf32, #tpu.memory_space<hbm>>) dst(%arg20 : memref<64x256xf32, #tpu.memory_space<vmem>>)
    %dma_wait3A_431 = arith.constant 0 : i32
    %dma_wait3A_432 = arith.constant 0 : i32
    %dma_wait3A_433 = tpu.memref_slice %arg4[%dma_wait3A_431, %dma_wait3A_432] : memref<65536x256xf32, #tpu.memory_space<hbm>> -> memref<65536x256xf32, #tpu.memory_space<hbm>>
    tpu.wait_indirect_dma semaphore(%arg27 : memref<!tpu.dma_semaphore, #tpu.memory_space<semaphore_mem>>) src(%dma_wait3A_433 : memref<65536x256xf32, #tpu.memory_space<hbm>>) dst(%arg21 : memref<64x256xf32, #tpu.memory_space<vmem>>)
    %dma_wait3A_434 = arith.constant 0 : i32
    %dma_wait3A_435 = arith.constant 0 : i32
    %dma_wait3A_436 = tpu.memref_slice %arg4[%dma_wait3A_434, %dma_wait3A_435] : memref<65536x256xf32, #tpu.memory_space<hbm>> -> memref<65536x256xf32, #tpu.memory_space<hbm>>
    tpu.wait_indirect_dma semaphore(%arg27 : memref<!tpu.dma_semaphore, #tpu.memory_space<semaphore_mem>>) src(%dma_wait3A_436 : memref<65536x256xf32, #tpu.memory_space<hbm>>) dst(%arg21 : memref<64x256xf32, #tpu.memory_space<vmem>>)
    %dma_wait3A_437 = arith.constant 0 : i32
    %dma_wait3A_438 = tpu.memref_slice %arg5[%mul3A_2, %dma_wait3A_437] : memref<262144x1024xf32, #tpu.memory_space<hbm>> -> memref<16x1024xf32, #tpu.memory_space<hbm>>
    %dma_wait3A_439 = arith.constant 0 : i32
    %dma_wait3A_440 = tpu.memref_slice %arg5[%mul3A_2, %dma_wait3A_439] : memref<262144x1024xf32, #tpu.memory_space<hbm>> -> memref<16x1024xf32, #tpu.memory_space<hbm>>
    tpu.wait_dma2 semaphore(%arg28 : memref<!tpu.dma_semaphore, #tpu.memory_space<semaphore_mem>>) src(%arg22 : memref<16x1024xf32, #tpu.memory_space<vmem>>) dst(%dma_wait3A_440 : memref<16x1024xf32, #tpu.memory_space<hbm>>)
    %dma_wait3A_441 = arith.constant 0 : i32
    %dma_wait3A_442 = tpu.memref_slice %arg5[%mul3A_2, %dma_wait3A_441] : memref<262144x1024xf32, #tpu.memory_space<hbm>> -> memref<16x1024xf32, #tpu.memory_space<hbm>>
    %dma_wait3A_443 = arith.constant 0 : i32
    %dma_wait3A_444 = tpu.memref_slice %arg5[%mul3A_2, %dma_wait3A_443] : memref<262144x1024xf32, #tpu.memory_space<hbm>> -> memref<16x1024xf32, #tpu.memory_space<hbm>>
    tpu.wait_dma2 semaphore(%arg28 : memref<!tpu.dma_semaphore, #tpu.memory_space<semaphore_mem>>) src(%arg23 : memref<16x1024xf32, #tpu.memory_space<vmem>>) dst(%dma_wait3A_444 : memref<16x1024xf32, #tpu.memory_space<hbm>>)
    return
  }
}

</mosaic_0001>

<sc_bundles>
// kernel: kernel.3.cloned.1.call-start
scs
__scs_entry_jumppad:
0x0: {  	(pc) =	sbr.rel $0x88, $3  }
0x1: {  	(tag) =	ssettag $0x0;
	lr =	simm.s32 $0x1  }
0x2: {  	[smem:$0x3F9F] =	sst lr;
	_ =	strace $0xD0000000  }
0x3: {  	_ = 	snop  }
0x4: {  	_ = 	snop  }
0x5: {  	_ = 	snop  }
0x6: {  	_ = 	snop  }
0x7: {  	_ = 	snop  }
__scs_overlays_trampoline_lowered:
0x8: {  	[smem:$0x3FAE] =	sst s0  }
0x9: {  	[smem:$0x3FAF] =	sst s1  }
0xa: {  	[smem:$0x3FB0] =	sst s2  }
0xb: {  	[smem:$0x3FB1] =	sst s3  }
0xc: {  	[smem:$0x3FB2] =	sst s4  }
0xd: {  	[smem:$0x3FB3] =	sst s5  }
0xe: {  	[smem:$0x3FB4] =	sst s6  }
0xf: {  	[smem:$0x3FB5] =	sst s7  }
0x10: {  	[smem:$0x3FB6] =	sst s8  }
0x11: {  	[smem:$0x3FB7] =	sst s9;
	s0 =	simm.s32 @!p0 $0x0  }
0x12: {  	s1 =	sld [smem:$0x3F9D];
	s0 =	simm.s32 @p0 $0x1  }
0x13: {  	[smem:$0x3FB8] =	sst s0;
	s0 =	simm.s32 @!p1 $0x0  }
0x14: {  	s2 =	sld [smem:$0x3F9C];
	s0 =	simm.s32 @p1 $0x1  }
0x15: {  	[smem:$0x3FB9] =	sst s0;
	s0 =	simm.s32 @!p2 $0x0  }
0x16: {  	s3 =	sld [smem:$0x3FDB];
	s0 =	simm.s32 @p2 $0x1  }
0x17: {  	s4 =	simm.s32 $0x1BF5;
	[smem:$0x3FBB] =	sst s0  }
0x18: {  	s0 =	sld [smem:$0x3F9E];
	_ =	swait.ge [sflag:s4], $0x0  }
0x19: {  	s7 =	sld [smem:$0x3F9F]  }
0x1a: {  	s8 =	sadd.s32 $0xFFFFE003, lr  }
0x1b: {  	s9 =	sadd.s32 $0xFFFFFEF7, lr;
	s5 =	simm.s32 $0xFFFFFFFF;
	p2 =	slt.u32 s8, $0xFFFFF086  }
0x1c: {  	p1 =	slt.u32 s9, $0xF7A;
	s5 =	simm.s32 @!p2 $0x0  }
0x1d: {  	s5 =	simm.s32 @p1 $0x1;
	p0 =	seq.s32 s7, s2  }
0x1e: {  	s7 =	smul.u32 @!p0 $0xF7A, s2;
	p2 =	seq.s32 @!p0 s5, $0x0  }
0x1f: {  	s9 =	smul.u32 $0xF7A, s1;
	s8 =	simm.s32 @!p0 $0x1BF5;
	p2 =	por !p2, p0  }
0x20: {  	[sflag:s8] =	ssyncset.s32 @!p0 $0xFFFFF086;
	s6 =	sadd.s32 @!p0 s3, s7;
	s7 =	simm.s32 @!p0 $0x108  }
0x21: {  	s3 =	sadd.s32 s3, s9;
	s6 =	sadd.s32 @!p0 $0x88, s6;
	s7 =	simm.s32 @p2 $0x1082  }
0x22: {  	[simem:s7], [sflag:s8] =	dma.local @!p0 [hbm:s6], $0xF7A  }
0x23: {  	s9 =	sor.u32 $0xD0000000, s2;
	s6 =	simm.s32 $0x108;
	_ =	swait.ge @!p0 [sflag:s8], $0x0  }
0x24: {  	s3 =	sadd.s32 $0x88, s3;
	s6 =	simm.s32 @!p1 $0x1082;
	[sflag:s4] =	ssyncset.s32 $0xFFFFF086  }
0x25: {  	[simem:s6], [sflag:s4] =	dma.local [hbm:s3], $0xF7A  }
0x26: {  	[smem:$0x3F9F] =	sst s1;
	(tag) =	ssettag s2;
	_ =	strace s9  }
0x27: {  	s1 =	sld [smem:$0x3FAF]  }
0x28: {  	s2 =	sld [smem:$0x3FB0]  }
0x29: {  	s4 =	sld [smem:$0x3FB2]  }
0x2a: {  	p0 =	seq.s32 s5, $0x0;
	s5 =	sld [smem:$0x3FB3]  }
0x2b: {  	s6 =	sld [smem:$0x3FB4]  }
0x2c: {  	s7 =	sld [smem:$0x3FB5]  }
0x2d: {  	s3 =	simm.s32 $0x108;
	s8 =	sld [smem:$0x3FB6]  }
0x2e: {  	s3 =	simm.s32 @!p0 $0x1082;
	s9 =	sld [smem:$0x3FB7]  }
0x2f: {  	lr =	sadd.s32 s0, s3;
	s0 =	sld [smem:$0x3FAE]  }
0x30: {  	s3 =	sld [smem:$0x3FB1]  }
0x31: {  	[smem:$0x3FBA] =	sst s10  }
0x32: {  	s10 =	sld [smem:$0x3FB8];
	_ =	sdelay $0x3  }
0x33: {  	p0 =	seq.s32 s10, $0x1;
	s10 =	sld [smem:$0x3FBA];
	_ =	sdelay $0x3  }
0x34: {  	[smem:$0x3FBA] =	sst s10  }
0x35: {  	s10 =	sld [smem:$0x3FB9];
	_ =	sdelay $0x3  }
0x36: {  	p1 =	seq.s32 s10, $0x1;
	s10 =	sld [smem:$0x3FBA];
	_ =	sdelay $0x3  }
0x37: {  	[smem:$0x3FBA] =	sst s10  }
0x38: {  	s10 =	sld [smem:$0x3FBB]  }
0x39: {  	_ = 	snop;
	(pc) =	sbr.ind lr, $3  }
0x3a: {  	_ = 	snop  }
0x3b: {  	_ = 	snop  }
0x3c: {  	p2 =	seq.s32 s10, $0x1;
	s10 =	sld [smem:$0x3FBA]  }
0x3d: {  	_ =	shalt  }
0x3e: {  	_ =	shalt  }
0x3f: {  	_ =	shalt  }
0x40: {  	_ =	shalt  }
0x41: {  	_ =	shalt  }
0x42: {  	_ =	shalt  }
0x43: {  	_ =	shalt  }
0x44: {  	_ =	shalt  }
0x45: {  	_ =	shalt  }
0x46: {  	_ =	shalt  }
0x47: {  	_ =	shalt  }
0x48: {  	_ =	shalt  }
0x49: {  	_ =	shalt  }
0x4a: {  	_ =	shalt  }
0x4b: {  	_ =	shalt  }
0x4c: {  	_ =	shalt  }
0x4d: {  	_ =	shalt  }
0x4e: {  	_ =	shalt  }
0x4f: {  	_ =	shalt  }
0x50: {  	_ =	shalt  }
0x51: {  	_ =	shalt  }
0x52: {  	_ =	shalt  }
0x53: {  	_ =	shalt  }
0x54: {  	_ =	shalt  }
0x55: {  	_ =	shalt  }
0x56: {  	_ =	shalt  }
0x57: {  	_ =	shalt  }
0x58: {  	_ =	shalt  }
0x59: {  	_ =	shalt  }
0x5a: {  	_ =	shalt  }
0x5b: {  	_ =	shalt  }
0x5c: {  	_ =	shalt  }
0x5d: {  	_ =	shalt  }
0x5e: {  	_ =	shalt  }
0x5f: {  	_ =	shalt  }
0x60: {  	_ =	shalt  }
0x61: {  	_ =	shalt  }
0x62: {  	_ =	shalt  }
0x63: {  	_ =	shalt  }
0x64: {  	_ =	shalt  }
0x65: {  	_ =	shalt  }
0x66: {  	_ =	shalt  }
0x67: {  	_ =	shalt  }
0x68: {  	_ =	shalt  }
0x69: {  	_ =	shalt  }
0x6a: {  	_ =	shalt  }
0x6b: {  	_ =	shalt  }
0x6c: {  	_ =	shalt  }
0x6d: {  	_ =	shalt  }
0x6e: {  	_ =	shalt  }
0x6f: {  	_ =	shalt  }
0x70: {  	_ =	shalt  }
0x71: {  	_ =	shalt  }
0x72: {  	_ =	shalt  }
0x73: {  	_ =	shalt  }
0x74: {  	_ =	shalt  }
0x75: {  	_ =	shalt  }
0x76: {  	_ =	shalt  }
0x77: {  	_ =	shalt  }
0x78: {  	_ =	shalt  }
0x79: {  	_ =	shalt  }
0x7a: {  	_ =	shalt  }
0x7b: {  	_ =	shalt  }
0x7c: {  	_ =	shalt  }
0x7d: {  	_ =	shalt  }
0x7e: {  	_ =	shalt  }
0x7f: {  	_ =	shalt  }
0x80: {  	_ =	shalt  }
0x81: {  	_ =	shalt  }
0x82: {  	_ =	shalt  }
0x83: {  	_ =	shalt  }
0x84: {  	_ =	shalt  }
0x85: {  	_ =	shalt  }
0x86: {  	_ =	shalt  }
0x87: {  	_ =	shalt  }
.Lfunc_end0:
.L_simem_size_0:
called_computation_lowered:
.L_overlay_start_0:
0x88: {  	s2 =	sld [smem:$0x3FD9]  }
0x89: {  	s3 =	sld [smem:$0x3FFE];
	_ =	sdelay $0x1  }
0x8a: {  	s1 =	srdreg.scid  }
0x8b: {  	s0 =	sand.u32 $0x1, s1  }
0x8c: {  	s17 =	sshll.u32 s0, $0xA;
	s2 =	sadd.s32 s3, s2  }
0x8d: {  	s2 =	sadd.s32 s2, s17  }
0x8e: {  	[smem:$0x3FC6] =	sst s2  }
0x8f: {  	_ = 	snop  }
0x90: {  	s2 =	sld [smem:$0x3FD0];
	(tm) =	ssettm $0x1  }
0x91: {  	s18 =	sld [smem:$0x3FFB];
	_ =	sdelay $0x3  }
0x92: {  	_ =	strace s18  }
0x93: {  	s3 =	sld [smem:$0x3FFC];
	_ =	sdelay $0x3  }
0x94: {  	_ =	strace s3  }
0x95: {  	s3 =	sld [smem:$0x3FFD];
	_ =	sdelay $0x3  }
0x96: {  	_ =	strace s3  }
0x97: {  	_ =	strace $0x8FFFFFFF  }
0x98: {  	s19 =	sld [smem:$0x3FDB];
	_ =	sdelay $0x1  }
0x99: {  	s4 =	simm.s32 $_scs_section_size  }
0x9a: {  	s5 =	simm.s32 $_size__tile_overlayer_lowered;
	s6 =	simm.s32 $_tile_overlayer_lowered  }
0x9b: {  	s22 =	simm.s32 $0x1BFF;
	s21 =	sshll.u32 s6, $0x1;
	s3 =	sadd.s32 s4, s19  }
0x9c: {  	s7 =	simm.s32 $0x0;
	s20 =	sshll.u32 s5, $0x1;
	s5 =	sadd.s32 s21, s3  }
0x9d: {  	[timem:s7], [sflag:s22] =	dma.local [hbm:s5], s20  }
0x9e: {  	_ =	swait.ge [sflag:s22], s20  }
0x9f: {  	s4 =	ssub.s32 $0x0, s20;
	[sflag:s22] =	ssyncset.done $0x0  }
0xa0: {  	[sflag:s22] =	ssyncadd.s32 s4;
	_ =	sdelay $0x1  }
0xa1: {  	s23 =	simm.s32 $0x1B8B  }
0xa2: {  	_ =	swait.ge [sflag:s23], $0x1  }
0xa3: {  	[sflag:s23] =	ssyncset.done $0x0  }
0xa4: {  	s25 =	simm.s32 $0x1B8E;
	s24 =	sld [smem:$0x3FFE];
	[sflag:s23] =	ssyncadd.s32 $0xFFFFFFFF  }
0xa5: {  	s26 =	simm.s32 $execute0_lowered;
	[smem:$0x3FD2] =	sst s25  }
0xa6: {  	s5 =	sshll.u32 s26, $0x1;
	_ =	strace $0x80000046;
	[dreg:$0x1] =	wrdreg $0xFFFFFFFF  }
0xa7: {  	s28 =	simm.s32 $_size_execute0_lowered;
	s3 =	sadd.s32 s3, s5;
	[dreg:$0x0] =	wrdreg $0x0  }
0xa8: {  	s5 =	sshll.u32 s28, $0x1;
	[dreg:$0x2] =	wrdreg s3  }
0xa9: {  	[dreg:$0x3] =	wrdreg s5  }
0xaa: {  	[dreg:$0x4] =	wrdreg $0xC0  }
0xab: {  	_ =	task [dreg:s7], $0x5FFFF  }
0xac: {  	[dreg:$0x1] =	wrdreg $0xFFFFFFFF  }
0xad: {  	[dreg:$0x0] =	wrdreg $0x60  }
0xae: {  	[dreg:$0x2] =	wrdreg s24  }
0xaf: {  	[dreg:$0x3] =	wrdreg s2  }
0xb0: {  	[dreg:$0x4] =	wrdreg $0x9  }
0xb1: {  	_ =	task.clear_ibuf [dreg:s7], $0x5FFFF;
	_ =	strace $0x90000046  }
0xb2: {  	s29 =	simm.s32 $0x9;
	_ =	strace $0x80000048  }
0xb3: {  	_ =	swait.ge [sflag:s29], $0x1  }
0xb4: {  	[sflag:s29] =	ssyncadd.s32 $0xFFFFFFFF  }
0xb5: {  	_ =	strace $0x90000048  }
0xb6: {  	_ =	sfence  }
0xb7: {  	s30 =	sld [smem:$0x0];
	_ =	sdelay $0x2  }
0xb8: {  	s31 =	sshll.u32 s1, $0xD;
	s1 =	sshrl.u32 s1, $0x2  }
0xb9: {  	s3 =	sand.u32 $0x4000, s31;
	s1 =	sadd.s32 s1, s30  }
0xba: {  	s0 =	sor.u32 s3, s0;
	s1 =	sshll.u32 s1, $0x11  }
0xbb: {  	s0 =	sor.u32 s1, s0  }
0xbc: {  	s0 =	sadd.s32 $0x8F2B, s0  }
0xbd: {  	[sflag:s0] =	ssyncadd.remote.s32 $0x1  }
0xbe: {  	_ =	sfence.sel $0xFFFF  }
0xbf: {  	[dreg:$0x0] =	wrdreg $0xFFFFFFFF;
	(pc) =	sbr.abs _section_cstart, $3  }
0xc0: {  	[dreg:$0x1] =	wrdreg $0xFFFFFFFF  }
0xc1: {  	_ =	task.clear_ibuf [dreg:s7], $0x2FFFF;
	_ =	strace $0x9FFFFFFF  }
0xc2: {  	(tm) =	ssettm $0x7FFFFFFF  }
0xc3: {  	_ =	shalt  }
tec
execute0_lowered:
.L_overlay_start_1:
0x0: {  	(tag) =	ssettag $0x1  }
0x1: {  	s0 =	srdreg.scid;
	s1 =	rddreg [dreg:$0x0]  }
0x2: {  	s8 =	stileid.u32;
	s4 =	rddreg [dreg:$0x1];
	s2 =	simm.s32 $0x0  }
0x3: {  	s22 =	simm.s32 $0x4500;
	s19 =	simm.s32 $0x4D00;
	s20 =	simm.s32 $0x5500  }
0x4: {  	s21 =	simm.s32 $0x5D00;
	s23 =	simm.s32 $0x6500;
	s24 =	simm.s32 $0x6D00  }
0x5: {  	s25 =	simm.s32 $0x7500;
	s26 =	simm.s32 $0x7D00;
	s28 =	simm.s32 $0x8500  }
0x6: {  	s29 =	simm.s32 $0x9500;
	s17 =	simm.s32 $0x14500;
	s18 =	simm.s32 $0x18500  }
0x7: {  	s9 =	simm.s32 $0xCD00;
	s10 =	simm.s32 $0xD500;
	s11 =	simm.s32 $0xDD00  }
0x8: {  	s30 =	simm.s32 $0xE500;
	s31 =	simm.s32 $0xED00;
	s0 =	sand.u32 $0x1, s0  }
0x9: {  	s3 =	sshll.u32 s8, $0xE;
	[smem:$0x7FF] =	sst s2;
	s14 =	sshll.u32 s8, $0x15  }
0xa: {  	s8 =	simm.s32 $0x9D00;
	s5 =	sshll.u32 s0, $0xD;
	s12 =	ssub.s32 $0x2, s0  }
0xb: {  	_ =	strace $0x80000047;
	s4 =	sadd.s32 s14, s4;
	[dreg:$0x4] =	wrdreg s17  }
0xc: {  	s0 =	sshll.u32 s0, $0x14;
	[dreg:$0x5] =	wrdreg s18;
	s17 =	simm.s32 $0x0  }
0xd: {  	s14 =	simm.s32 $0x3;
	s3 =	sor.u32 s5, s3;
	s7 =	sshrl.u32 s12, $0x1  }
0xe: {  	s0 =	sadd.s32 s0, s4;
	s4 =	simm.s32 $0xA500;
	s5 =	simm.s32 $0xAD00  }
0xf: {  	s3 =	sshrl.u32 s3, $0x3;
	s13 =	ssub.s32 s12, s7;
	[dreg:$0x3] =	wrdreg s0  }
0x10: {  	s7 =	simm.s32 $0xBD00;
	s0 =	simm.s32 $0xC500;
	s12 =	simm.s32 $0x9D00  }
0x11: {  	s6 =	sadd.s32 s3, s1;
	s3 =	sadd.s32 $0x10600, s1;
	s1 =	smax.u32 s13, $0x1  }
0x12: {  	v2 =	vlaneseq.u32;
	s13 =	simm.s32 $0x2;
	s15 =	sadd.s32 $0x8600, s6;
	[dreg:$0x8] =	wrdreg s1  }
0x13: {  	vm0 =	vmmov $0xffff;
	v1 =	vshrl.u32 v2, $0x3;
	s16 =	sadd.s32 $0x600, s6;
	s1 =	simm.s32 $0x8D00;
	[dreg:$0x6] =	wrdreg s15  }
0x14: {  	v0 =	vand.u32 $0x7, v2;
	v2 =	vor.u32 $0x8, v2;
	v1 =	vmul.u32 $0x8, v1;
	s6 =	simm.s32 $0xB500;
	[dreg:$0x7] =	wrdreg s16;
	s15 =	simm.s32 $0x4  }
.LBB2_1:
0x15: {  	[dreg:$0x9] =	wrdreg s17  }
0x16: {  	s16 =	rddreg [dreg:$0x6];
	s17 =	simm.s32 $0x6  }
0x17: {  	[tilespmem:s2], [sflag:$0x6] =	stream.linear.gather [hbm4b:s16+s2], $0x2000, $0x38;
	[tilespmem:$0x1C500] =	vst v63  }
0x18: {  	_ =	swait.ge [sflag:s17], $0x2000  }
0x19: {  	[sflag:s17] =	ssyncset.done $0x0  }
0x1a: {  	s18 =	simm.s32 $0x2000;
	s16 =	rddreg [dreg:$0x7];
	[sflag:s17] =	ssyncadd.s32 $0xFFFFE000  }
0x1b: {  	[tilespmem:s18], [sflag:$0x6] =	stream.linear.gather [hbm4b:s16+s2], $0x2000, $0x38;
	[tilespmem:$0x1C500] =	vst v63  }
0x1c: {  	_ =	swait.ge [sflag:s17], $0x2000  }
0x1d: {  	[sflag:s17] =	ssyncset.done $0x0  }
0x1e: {  	[sflag:s17] =	ssyncadd.s32 $0xFFFFE000  }
0x1f: {  	v3 =	vld [tilespmem:$0x0]  }
0x20: {  	v4 =	vld [tilespmem:$0x2000];
	_ =	sdelay $0x4  }
0x21: {  	v3 =	vmul.f32 $1.270000000e+02, v3;
	v4 =	vmul.f32 $1.270000000e+02, v4;
	_ =	sdelay $0x1  }
0x22: {  	v5 =	vtrunc.f32 v3;
	v6 =	vtrunc.f32 v4  }
0x23: {  	v5 =	vcvt.f32.s32 v5;
	v6 =	vcvt.f32.s32 v6;
	_ =	sdelay $0x1  }
0x24: {  	v7 =	vshll.u32 v5, $0x9;
	v8 =	vshll.u32 v6, $0x2  }
0x25: {  	v7 =	vadd.s32 v7, v8  }
0x26: {  	v8 =	vadd.s32 $0x200, v7;
	[tilespmem:$0x4000] =	vst v7  }
0x27: {  	v49 =	vadd.s32 $0x4, v7;
	[tilespmem:$0x4010] =	vst v8  }
0x28: {  	v50 =	vadd.s32 $0x204, v7;
	[tilespmem:$0x4020] =	vst v49  }
0x29: {  	v9 =	vld [tilespmem:$0x10];
	v51 =	vor.u32 $0x1, v7;
	[tilespmem:$0x4030] =	vst v50  }
0x2a: {  	v10 =	vld [tilespmem:$0x2010];
	v52 =	vadd.s32 $0x201, v7;
	[tilespmem:$0x4100] =	vst v51  }
0x2b: {  	v53 =	vadd.s32 $0x5, v7;
	[tilespmem:$0x4110] =	vst v52  }
0x2c: {  	v54 =	vadd.s32 $0x205, v7;
	[tilespmem:$0x4120] =	vst v53  }
0x2d: {  	v55 =	vor.u32 $0x2, v7;
	[tilespmem:$0x4130] =	vst v54  }
0x2e: {  	v56 =	vadd.s32 $0x202, v7;
	[tilespmem:$0x4200] =	vst v55  }
0x2f: {  	v9 =	vmul.f32 $1.270000000e+02, v9;
	v10 =	vmul.f32 $1.270000000e+02, v10;
	v57 =	vadd.s32 $0x6, v7;
	[tilespmem:$0x4210] =	vst v56  }
0x30: {  	v58 =	vadd.s32 $0x206, v7;
	[tilespmem:$0x4220] =	vst v57  }
0x31: {  	v11 =	vtrunc.f32 v9;
	v12 =	vtrunc.f32 v10;
	v59 =	vor.u32 $0x3, v7;
	[tilespmem:$0x4230] =	vst v58  }
0x32: {  	v62 =	vcvt.f32.s32 v11;
	v5 =	vcvt.s32.f32 v5;
	v60 =	vadd.s32 $0x203, v7;
	[tilespmem:$0x4300] =	vst v59  }
0x33: {  	v63 =	vcvt.f32.s32 v12;
	v6 =	vcvt.s32.f32 v6;
	v61 =	vadd.s32 $0x7, v7;
	[tilespmem:$0x4310] =	vst v60  }
0x34: {  	v30 =	vcvt.s32.f32 v62;
	v3 =	vsub.f32 v3, v5;
	v12 =	vadd.s32 $0x207, v7;
	[tilespmem:$0x4320] =	vst v61  }
0x35: {  	v4 =	vsub.f32 v4, v6;
	[tilespmem:$0x4330] =	vst v12  }
0x36: {  	v7 =	vsub.f32 v9, v30;
	[tilespmem:$0x4400] =	vst v3  }
0x37: {  	v13 =	vshll.u32 v62, $0x9;
	v14 =	vshll.u32 v63, $0x2;
	[tilespmem:$0x4410] =	vst v4  }
0x38: {  	v3 =	vadd.s32 v13, v14;
	[tilespmem:$0x4480] =	vst v7  }
0x39: {  	v15 =	vadd.s32 $0x200, v3;
	[tilespmem:$0x4080] =	vst v3  }
0x3a: {  	v16 =	vadd.s32 $0x4, v3;
	[tilespmem:$0x4090] =	vst v15  }
0x3b: {  	v20 =	vld [tilespmem:$0x4000];
	v17 =	vadd.s32 $0x204, v3;
	[tilespmem:$0x40A0] =	vst v16  }
0x3c: {  	v18 =	vor.u32 $0x1, v3;
	[tilespmem:$0x40B0] =	vst v17  }
0x3d: {  	v19 =	vadd.s32 $0x201, v3;
	[tilespmem:$0x4180] =	vst v18  }
0x3e: {  	v21 =	vadd.s32 $0x5, v3;
	[tilespmem:$0x4190] =	vst v19  }
0x3f: {  	v22 =	vadd.s32 $0x205, v3;
	[tilespmem:$0x41A0] =	vst v21  }
0x40: {  	v23 =	vor.u32 $0x2, v3;
	[tilespmem:$0x41B0] =	vst v22;
	v26 =	vshll.u32 v20, $0x1  }
0x41: {  	v24 =	vadd.s32 $0x202, v3;
	[tilespmem:$0x4280] =	vst v23;
	v5 =	vand.u32 $0x7, v20;
	v6 =	vand.u32 $0xFFFFFFF0, v26  }
0x42: {  	v25 =	vadd.s32 $0x6, v3;
	[tilespmem:$0x4290] =	vst v24;
	v5 =	vor.u32 v5, v6  }
0x43: {  	v27 =	vadd.s32 $0x206, v3;
	[tilespmem:$0x42A0] =	vst v25;
	v6 =	vperm.xlane v5, v0  }
0x44: {  	v32 =	vcvt.s32.f32 v63;
	v28 =	vor.u32 $0x3, v3;
	[tilespmem:$0x42B0] =	vst v27  }
0x45: {  	v29 =	vadd.s32 $0x203, v3;
	[tilespmem:$0x4380] =	vst v28;
	v5 =	vperm.xlane v5, v2;
	v6 =	vadd.s32 v1, v6  }
0x46: {  	v31 =	vadd.s32 $0x7, v3;
	v3 =	vadd.s32 $0x207, v3;
	[tilespmem:$0x4390] =	vst v29  }
0x47: {  	v4 =	vsub.f32 v10, v32;
	[tilespmem:$0x43B0] =	vst v3;
	v3 =	vadd.s32 v1, v5  }
0x48: {  	[tilespmem:$0x43A0] =	vst v31  }
0x49: {  	[tilespmem:$0x4490] =	vst v4  }
0x4a: {  	[tilespmem:s22], [sflag:$0x1] =	stream.indirect_vreg.gather [hbm4b:s3+s2], $0x80, v6, vm0, $0xb8;
	[tilespmem:$0x1C500] =	vst v63  }
0x4b: {  	_ = 	snop  }
0x4c: {  	[tilespmem:s19], [sflag:$0x1] =	stream.indirect_vreg.gather [hbm4b:s3+s2], $0x80, v3, vm0, $0xb8;
	[tilespmem:$0x1C500] =	vst v63  }
0x4d: {  	v3 =	vld [tilespmem:$0x4010];
	_ =	sdelay $0x4  }
0x4e: {  	v33 =	vshll.u32 v3, $0x1  }
0x4f: {  	v3 =	vand.u32 $0x7, v3;
	v4 =	vand.u32 $0xFFFFFFF0, v33  }
0x50: {  	v3 =	vor.u32 v3, v4  }
0x51: {  	v4 =	vperm.xlane v3, v0;
	_ =	sdelay $0x1  }
0x52: {  	v3 =	vperm.xlane v3, v2;
	v4 =	vadd.s32 v1, v4;
	_ =	sdelay $0x1  }
0x53: {  	v3 =	vadd.s32 v1, v3;
	_ =	sdelay $0x2  }
0x54: {  	[tilespmem:s20], [sflag:$0x1] =	stream.indirect_vreg.gather [hbm4b:s3+s2], $0x80, v4, vm0, $0xb8;
	[tilespmem:$0x1C500] =	vst v63  }
0x55: {  	_ = 	snop  }
0x56: {  	[tilespmem:s21], [sflag:$0x1] =	stream.indirect_vreg.gather [hbm4b:s3+s2], $0x80, v3, vm0, $0xb8;
	[tilespmem:$0x1C500] =	vst v63  }
0x57: {  	v3 =	vld [tilespmem:$0x4020];
	_ =	sdelay $0x4  }
0x58: {  	v34 =	vshll.u32 v3, $0x1  }
0x59: {  	v3 =	vand.u32 $0x7, v3;
	v4 =	vand.u32 $0xFFFFFFF0, v34  }
0x5a: {  	v3 =	vor.u32 v3, v4  }
0x5b: {  	v4 =	vperm.xlane v3, v0;
	_ =	sdelay $0x1  }
0x5c: {  	v3 =	vperm.xlane v3, v2;
	v4 =	vadd.s32 v1, v4;
	_ =	sdelay $0x1  }
0x5d: {  	v3 =	vadd.s32 v1, v3;
	_ =	sdelay $0x2  }
0x5e: {  	[tilespmem:s23], [sflag:$0x1] =	stream.indirect_vreg.gather [hbm4b:s3+s2], $0x80, v4, vm0, $0xb8;
	[tilespmem:$0x1C500] =	vst v63  }
0x5f: {  	_ = 	snop  }
0x60: {  	[tilespmem:s24], [sflag:$0x1] =	stream.indirect_vreg.gather [hbm4b:s3+s2], $0x80, v3, vm0, $0xb8;
	[tilespmem:$0x1C500] =	vst v63  }
0x61: {  	v3 =	vld [tilespmem:$0x4030];
	_ =	sdelay $0x4  }
0x62: {  	v35 =	vshll.u32 v3, $0x1  }
0x63: {  	v3 =	vand.u32 $0x7, v3;
	v4 =	vand.u32 $0xFFFFFFF0, v35  }
0x64: {  	v3 =	vor.u32 v3, v4  }
0x65: {  	v4 =	vperm.xlane v3, v0;
	_ =	sdelay $0x1  }
0x66: {  	v3 =	vperm.xlane v3, v2;
	v4 =	vadd.s32 v1, v4;
	_ =	sdelay $0x1  }
0x67: {  	v3 =	vadd.s32 v1, v3;
	_ =	sdelay $0x2  }
0x68: {  	[tilespmem:s25], [sflag:$0x1] =	stream.indirect_vreg.gather [hbm4b:s3+s2], $0x80, v4, vm0, $0xb8;
	[tilespmem:$0x1C500] =	vst v63  }
0x69: {  	_ = 	snop  }
0x6a: {  	[tilespmem:s26], [sflag:$0x1] =	stream.indirect_vreg.gather [hbm4b:s3+s2], $0x80, v3, vm0, $0xb8;
	[tilespmem:$0x1C500] =	vst v63  }
0x6b: {  	v3 =	vld [tilespmem:$0x4080];
	_ =	sdelay $0x4  }
0x6c: {  	v36 =	vshll.u32 v3, $0x1  }
0x6d: {  	v3 =	vand.u32 $0x7, v3;
	v4 =	vand.u32 $0xFFFFFFF0, v36  }
0x6e: {  	v3 =	vor.u32 v3, v4  }
0x6f: {  	v4 =	vperm.xlane v3, v0;
	_ =	sdelay $0x1  }
0x70: {  	v3 =	vperm.xlane v3, v2;
	v4 =	vadd.s32 v1, v4;
	_ =	sdelay $0x1  }
0x71: {  	v3 =	vadd.s32 v1, v3;
	_ =	sdelay $0x2  }
0x72: {  	[tilespmem:s22], [sflag:$0x1] =	stream.indirect_vreg.gather [hbm4b:s3+s2], $0x80, v4, vm0, $0xb8;
	[tilespmem:$0x1C500] =	vst v63  }
0x73: {  	_ = 	snop  }
0x74: {  	[tilespmem:s19], [sflag:$0x1] =	stream.indirect_vreg.gather [hbm4b:s3+s2], $0x80, v3, vm0, $0xb8;
	[tilespmem:$0x1C500] =	vst v63  }
0x75: {  	v3 =	vld [tilespmem:$0x4090];
	_ =	sdelay $0x4  }
0x76: {  	v37 =	vshll.u32 v3, $0x1  }
0x77: {  	v3 =	vand.u32 $0x7, v3;
	v4 =	vand.u32 $0xFFFFFFF0, v37  }
0x78: {  	v3 =	vor.u32 v3, v4  }
0x79: {  	v4 =	vperm.xlane v3, v0;
	_ =	sdelay $0x1  }
0x7a: {  	v3 =	vperm.xlane v3, v2;
	v4 =	vadd.s32 v1, v4;
	_ =	sdelay $0x1  }
0x7b: {  	v3 =	vadd.s32 v1, v3;
	_ =	sdelay $0x2  }
0x7c: {  	[tilespmem:s20], [sflag:$0x1] =	stream.indirect_vreg.gather [hbm4b:s3+s2], $0x80, v4, vm0, $0xb8;
	[tilespmem:$0x1C500] =	vst v63  }
0x7d: {  	_ = 	snop  }
0x7e: {  	[tilespmem:s21], [sflag:$0x1] =	stream.indirect_vreg.gather [hbm4b:s3+s2], $0x80, v3, vm0, $0xb8;
	[tilespmem:$0x1C500] =	vst v63  }
0x7f: {  	v3 =	vld [tilespmem:$0x40A0];
	_ =	sdelay $0x4  }
0x80: {  	v38 =	vshll.u32 v3, $0x1  }
0x81: {  	v3 =	vand.u32 $0x7, v3;
	v4 =	vand.u32 $0xFFFFFFF0, v38  }
0x82: {  	v3 =	vor.u32 v3, v4  }
0x83: {  	v4 =	vperm.xlane v3, v0;
	_ =	sdelay $0x1  }
0x84: {  	v3 =	vperm.xlane v3, v2;
	v4 =	vadd.s32 v1, v4;
	_ =	sdelay $0x1  }
0x85: {  	v3 =	vadd.s32 v1, v3;
	_ =	sdelay $0x2  }
0x86: {  	[tilespmem:s23], [sflag:$0x1] =	stream.indirect_vreg.gather [hbm4b:s3+s2], $0x80, v4, vm0, $0xb8;
	[tilespmem:$0x1C500] =	vst v63  }
0x87: {  	_ = 	snop  }
0x88: {  	[tilespmem:s24], [sflag:$0x1] =	stream.indirect_vreg.gather [hbm4b:s3+s2], $0x80, v3, vm0, $0xb8;
	[tilespmem:$0x1C500] =	vst v63  }
0x89: {  	v3 =	vld [tilespmem:$0x40B0];
	_ =	sdelay $0x4  }
0x8a: {  	v39 =	vshll.u32 v3, $0x1  }
0x8b: {  	v3 =	vand.u32 $0x7, v3;
	v4 =	vand.u32 $0xFFFFFFF0, v39  }
0x8c: {  	v3 =	vor.u32 v3, v4  }
0x8d: {  	v4 =	vperm.xlane v3, v0;
	_ =	sdelay $0x1  }
0x8e: {  	v3 =	vperm.xlane v3, v2;
	v4 =	vadd.s32 v1, v4;
	_ =	sdelay $0x1  }
0x8f: {  	v3 =	vadd.s32 v1, v3;
	_ =	sdelay $0x2  }
0x90: {  	[tilespmem:s25], [sflag:$0x1] =	stream.indirect_vreg.gather [hbm4b:s3+s2], $0x80, v4, vm0, $0xb8;
	[tilespmem:$0x1C500] =	vst v63  }
0x91: {  	_ = 	snop  }
0x92: {  	[tilespmem:s26], [sflag:$0x1] =	stream.indirect_vreg.gather [hbm4b:s3+s2], $0x80, v3, vm0, $0xb8;
	[tilespmem:$0x1C500] =	vst v63  }
0x93: {  	v3 =	vld [tilespmem:$0x4100];
	_ =	sdelay $0x4  }
0x94: {  	v40 =	vshll.u32 v3, $0x1  }
0x95: {  	v3 =	vand.u32 $0x7, v3;
	v4 =	vand.u32 $0xFFFFFFF0, v40  }
0x96: {  	v3 =	vor.u32 v3, v4  }
0x97: {  	v4 =	vperm.xlane v3, v0;
	_ =	sdelay $0x1  }
0x98: {  	v3 =	vperm.xlane v3, v2;
	v4 =	vadd.s32 v1, v4;
	_ =	sdelay $0x1  }
0x99: {  	v3 =	vadd.s32 v1, v3;
	_ =	sdelay $0x2  }
0x9a: {  	[tilespmem:s28], [sflag:$0x2] =	stream.indirect_vreg.gather [hbm4b:s3+s2], $0x80, v4, vm0, $0xb8;
	[tilespmem:$0x1C500] =	vst v63  }
0x9b: {  	_ = 	snop  }
0x9c: {  	[tilespmem:s1], [sflag:$0x2] =	stream.indirect_vreg.gather [hbm4b:s3+s2], $0x80, v3, vm0, $0xb8;
	[tilespmem:$0x1C500] =	vst v63  }
0x9d: {  	v3 =	vld [tilespmem:$0x4110];
	_ =	sdelay $0x4  }
0x9e: {  	v41 =	vshll.u32 v3, $0x1  }
0x9f: {  	v3 =	vand.u32 $0x7, v3;
	v4 =	vand.u32 $0xFFFFFFF0, v41  }
0xa0: {  	v3 =	vor.u32 v3, v4  }
0xa1: {  	v4 =	vperm.xlane v3, v0;
	_ =	sdelay $0x1  }
0xa2: {  	v3 =	vperm.xlane v3, v2;
	v4 =	vadd.s32 v1, v4;
	_ =	sdelay $0x1  }
0xa3: {  	v3 =	vadd.s32 v1, v3;
	_ =	sdelay $0x2  }
0xa4: {  	[tilespmem:s29], [sflag:$0x2] =	stream.indirect_vreg.gather [hbm4b:s3+s2], $0x80, v4, vm0, $0xb8;
	[tilespmem:$0x1C500] =	vst v63  }
0xa5: {  	_ = 	snop  }
0xa6: {  	[tilespmem:s8], [sflag:$0x2] =	stream.indirect_vreg.gather [hbm4b:s3+s2], $0x80, v3, vm0, $0xb8;
	[tilespmem:$0x1C500] =	vst v63  }
0xa7: {  	v3 =	vld [tilespmem:$0x4120];
	_ =	sdelay $0x4  }
0xa8: {  	v42 =	vshll.u32 v3, $0x1  }
0xa9: {  	v3 =	vand.u32 $0x7, v3;
	v4 =	vand.u32 $0xFFFFFFF0, v42  }
0xaa: {  	v3 =	vor.u32 v3, v4  }
0xab: {  	v4 =	vperm.xlane v3, v0;
	_ =	sdelay $0x1  }
0xac: {  	v3 =	vperm.xlane v3, v2;
	v4 =	vadd.s32 v1, v4;
	_ =	sdelay $0x1  }
0xad: {  	v3 =	vadd.s32 v1, v3;
	_ =	sdelay $0x2  }
0xae: {  	[tilespmem:s4], [sflag:$0x2] =	stream.indirect_vreg.gather [hbm4b:s3+s2], $0x80, v4, vm0, $0xb8;
	[tilespmem:$0x1C500] =	vst v63  }
0xaf: {  	_ = 	snop  }
0xb0: {  	[tilespmem:s5], [sflag:$0x2] =	stream.indirect_vreg.gather [hbm4b:s3+s2], $0x80, v3, vm0, $0xb8;
	[tilespmem:$0x1C500] =	vst v63  }
0xb1: {  	v3 =	vld [tilespmem:$0x4130];
	_ =	sdelay $0x4  }
0xb2: {  	v43 =	vshll.u32 v3, $0x1  }
0xb3: {  	v3 =	vand.u32 $0x7, v3;
	v4 =	vand.u32 $0xFFFFFFF0, v43  }
0xb4: {  	v3 =	vor.u32 v3, v4  }
0xb5: {  	v4 =	vperm.xlane v3, v0;
	_ =	sdelay $0x1  }
0xb6: {  	v3 =	vperm.xlane v3, v2;
	v4 =	vadd.s32 v1, v4;
	_ =	sdelay $0x1  }
0xb7: {  	v3 =	vadd.s32 v1, v3;
	_ =	sdelay $0x2  }
0xb8: {  	[tilespmem:s6], [sflag:$0x2] =	stream.indirect_vreg.gather [hbm4b:s3+s2], $0x80, v4, vm0, $0xb8;
	[tilespmem:$0x1C500] =	vst v63  }
0xb9: {  	_ = 	snop  }
0xba: {  	[tilespmem:s7], [sflag:$0x2] =	stream.indirect_vreg.gather [hbm4b:s3+s2], $0x80, v3, vm0, $0xb8;
	[tilespmem:$0x1C500] =	vst v63  }
0xbb: {  	v3 =	vld [tilespmem:$0x4180];
	_ =	sdelay $0x4  }
0xbc: {  	v44 =	vshll.u32 v3, $0x1  }
0xbd: {  	v3 =	vand.u32 $0x7, v3;
	v4 =	vand.u32 $0xFFFFFFF0, v44  }
0xbe: {  	v3 =	vor.u32 v3, v4  }
0xbf: {  	v4 =	vperm.xlane v3, v0;
	_ =	sdelay $0x1  }
0xc0: {  	v3 =	vperm.xlane v3, v2;
	v4 =	vadd.s32 v1, v4;
	_ =	sdelay $0x1  }
0xc1: {  	v3 =	vadd.s32 v1, v3;
	_ =	sdelay $0x2  }
0xc2: {  	[tilespmem:s28], [sflag:$0x2] =	stream.indirect_vreg.gather [hbm4b:s3+s2], $0x80, v4, vm0, $0xb8;
	[tilespmem:$0x1C500] =	vst v63  }
0xc3: {  	_ = 	snop  }
0xc4: {  	[tilespmem:s1], [sflag:$0x2] =	stream.indirect_vreg.gather [hbm4b:s3+s2], $0x80, v3, vm0, $0xb8;
	[tilespmem:$0x1C500] =	vst v63  }
0xc5: {  	v3 =	vld [tilespmem:$0x4190];
	_ =	sdelay $0x4  }
0xc6: {  	v45 =	vshll.u32 v3, $0x1  }
0xc7: {  	v3 =	vand.u32 $0x7, v3;
	v4 =	vand.u32 $0xFFFFFFF0, v45  }
0xc8: {  	v3 =	vor.u32 v3, v4  }
0xc9: {  	v4 =	vperm.xlane v3, v0;
	_ =	sdelay $0x1  }
0xca: {  	v3 =	vperm.xlane v3, v2;
	v4 =	vadd.s32 v1, v4;
	_ =	sdelay $0x1  }
0xcb: {  	v3 =	vadd.s32 v1, v3;
	_ =	sdelay $0x2  }
0xcc: {  	[tilespmem:s29], [sflag:$0x2] =	stream.indirect_vreg.gather [hbm4b:s3+s2], $0x80, v4, vm0, $0xb8;
	[tilespmem:$0x1C500] =	vst v63  }
0xcd: {  	_ = 	snop  }
0xce: {  	[tilespmem:s8], [sflag:$0x2] =	stream.indirect_vreg.gather [hbm4b:s3+s2], $0x80, v3, vm0, $0xb8;
	[tilespmem:$0x1C500] =	vst v63  }
0xcf: {  	v3 =	vld [tilespmem:$0x41A0];
	_ =	sdelay $0x4  }
0xd0: {  	v46 =	vshll.u32 v3, $0x1  }
0xd1: {  	v3 =	vand.u32 $0x7, v3;
	v4 =	vand.u32 $0xFFFFFFF0, v46  }
0xd2: {  	v3 =	vor.u32 v3, v4  }
0xd3: {  	v4 =	vperm.xlane v3, v0;
	_ =	sdelay $0x1  }
0xd4: {  	v3 =	vperm.xlane v3, v2;
	v4 =	vadd.s32 v1, v4;
	_ =	sdelay $0x1  }
0xd5: {  	v3 =	vadd.s32 v1, v3;
	_ =	sdelay $0x2  }
0xd6: {  	[tilespmem:s4], [sflag:$0x2] =	stream.indirect_vreg.gather [hbm4b:s3+s2], $0x80, v4, vm0, $0xb8;
	[tilespmem:$0x1C500] =	vst v63  }
0xd7: {  	_ = 	snop  }
0xd8: {  	[tilespmem:s5], [sflag:$0x2] =	stream.indirect_vreg.gather [hbm4b:s3+s2], $0x80, v3, vm0, $0xb8;
	[tilespmem:$0x1C500] =	vst v63  }
0xd9: {  	v3 =	vld [tilespmem:$0x41B0];
	_ =	sdelay $0x4  }
0xda: {  	v47 =	vshll.u32 v3, $0x1  }
0xdb: {  	v3 =	vand.u32 $0x7, v3;
	v4 =	vand.u32 $0xFFFFFFF0, v47  }
0xdc: {  	v3 =	vor.u32 v3, v4  }
0xdd: {  	v4 =	vperm.xlane v3, v0;
	_ =	sdelay $0x1  }
0xde: {  	v3 =	vperm.xlane v3, v2;
	v4 =	vadd.s32 v1, v4;
	_ =	sdelay $0x1  }
0xdf: {  	v3 =	vadd.s32 v1, v3;
	_ =	sdelay $0x2  }
0xe0: {  	[tilespmem:s6], [sflag:$0x2] =	stream.indirect_vreg.gather [hbm4b:s3+s2], $0x80, v4, vm0, $0xb8;
	[tilespmem:$0x1C500] =	vst v63  }
0xe1: {  	_ = 	snop  }
0xe2: {  	[tilespmem:s7], [sflag:$0x2] =	stream.indirect_vreg.gather [hbm4b:s3+s2], $0x80, v3, vm0, $0xb8;
	[tilespmem:$0x1C500] =	vst v63  }
0xe3: {  	v3 =	vld [tilespmem:$0x4200];
	_ =	sdelay $0x4  }
0xe4: {  	v48 =	vshll.u32 v3, $0x1  }
0xe5: {  	v3 =	vand.u32 $0x7, v3;
	v4 =	vand.u32 $0xFFFFFFF0, v48  }
0xe6: {  	v3 =	vor.u32 v3, v4  }
0xe7: {  	v4 =	vperm.xlane v3, v0;
	_ =	sdelay $0x1  }
0xe8: {  	v3 =	vperm.xlane v3, v2;
	v4 =	vadd.s32 v1, v4;
	_ =	sdelay $0x1  }
0xe9: {  	v3 =	vadd.s32 v1, v3;
	_ =	sdelay $0x2  }
0xea: {  	[tilespmem:s0], [sflag:$0x3] =	stream.indirect_vreg.gather [hbm4b:s3+s2], $0x80, v4, vm0, $0xb8;
	[tilespmem:$0x1C500] =	vst v63  }
0xeb: {  	_ = 	snop  }
0xec: {  	[tilespmem:s9], [sflag:$0x3] =	stream.indirect_vreg.gather [hbm4b:s3+s2], $0x80, v3, vm0, $0xb8;
	[tilespmem:$0x1C500] =	vst v63  }
0xed: {  	v3 =	vld [tilespmem:$0x4210];
	_ =	sdelay $0x4  }
0xee: {  	v49 =	vshll.u32 v3, $0x1  }
0xef: {  	v3 =	vand.u32 $0x7, v3;
	v4 =	vand.u32 $0xFFFFFFF0, v49  }
0xf0: {  	v3 =	vor.u32 v3, v4  }
0xf1: {  	v4 =	vperm.xlane v3, v0;
	_ =	sdelay $0x1  }
0xf2: {  	v3 =	vperm.xlane v3, v2;
	v4 =	vadd.s32 v1, v4;
	_ =	sdelay $0x1  }
0xf3: {  	v3 =	vadd.s32 v1, v3;
	_ =	sdelay $0x2  }
0xf4: {  	[tilespmem:s10], [sflag:$0x3] =	stream.indirect_vreg.gather [hbm4b:s3+s2], $0x80, v4, vm0, $0xb8;
	[tilespmem:$0x1C500] =	vst v63  }
0xf5: {  	_ = 	snop  }
0xf6: {  	[tilespmem:s11], [sflag:$0x3] =	stream.indirect_vreg.gather [hbm4b:s3+s2], $0x80, v3, vm0, $0xb8;
	[tilespmem:$0x1C500] =	vst v63  }
0xf7: {  	v3 =	vld [tilespmem:$0x4220];
	_ =	sdelay $0x4  }
0xf8: {  	v50 =	vshll.u32 v3, $0x1  }
0xf9: {  	v3 =	vand.u32 $0x7, v3;
	v4 =	vand.u32 $0xFFFFFFF0, v50  }
0xfa: {  	v3 =	vor.u32 v3, v4  }
0xfb: {  	v4 =	vperm.xlane v3, v0;
	_ =	sdelay $0x1  }
0xfc: {  	v3 =	vperm.xlane v3, v2;
	v4 =	vadd.s32 v1, v4;
	_ =	sdelay $0x1  }
0xfd: {  	v3 =	vadd.s32 v1, v3;
	_ =	sdelay $0x2  }
0xfe: {  	[tilespmem:s30], [sflag:$0x3] =	stream.indirect_vreg.gather [hbm4b:s3+s2], $0x80, v4, vm0, $0xb8;
	[tilespmem:$0x1C500] =	vst v63  }
0xff: {  	_ = 	snop  }
0x100: {  	[tilespmem:s31], [sflag:$0x3] =	stream.indirect_vreg.gather [hbm4b:s3+s2], $0x80, v3, vm0, $0xb8;
	[tilespmem:$0x1C500] =	vst v63  }
0x101: {  	v3 =	vld [tilespmem:$0x4230];
	_ =	sdelay $0x4  }
0x102: {  	v51 =	vshll.u32 v3, $0x1  }
0x103: {  	v3 =	vand.u32 $0x7, v3;
	v4 =	vand.u32 $0xFFFFFFF0, v51  }
0x104: {  	v3 =	vor.u32 v3, v4  }
0x105: {  	v4 =	vperm.xlane v3, v0;
	_ =	sdelay $0x1  }
0x106: {  	v3 =	vperm.xlane v3, v2;
	v4 =	vadd.s32 v1, v4;
	_ =	sdelay $0x1  }
0x107: {  	v3 =	vadd.s32 v1, v3;
	_ =	sdelay $0x1  }
0x108: {  	s20 =	simm.s32 $0xF500  }
0x109: {  	[tilespmem:s20], [sflag:$0x3] =	stream.indirect_vreg.gather [hbm4b:s3+s2], $0x80, v4, vm0, $0xb8;
	[tilespmem:$0x1C500] =	vst v63  }
0x10a: {  	s21 =	simm.s32 $0xFD00  }
0x10b: {  	[tilespmem:s21], [sflag:$0x3] =	stream.indirect_vreg.gather [hbm4b:s3+s2], $0x80, v3, vm0, $0xb8;
	[tilespmem:$0x1C500] =	vst v63  }
0x10c: {  	v3 =	vld [tilespmem:$0x4280];
	_ =	sdelay $0x4  }
0x10d: {  	v52 =	vshll.u32 v3, $0x1  }
0x10e: {  	v3 =	vand.u32 $0x7, v3;
	v4 =	vand.u32 $0xFFFFFFF0, v52  }
0x10f: {  	v3 =	vor.u32 v3, v4  }
0x110: {  	v4 =	vperm.xlane v3, v0;
	_ =	sdelay $0x1  }
0x111: {  	v3 =	vperm.xlane v3, v2;
	v4 =	vadd.s32 v1, v4;
	_ =	sdelay $0x1  }
0x112: {  	v3 =	vadd.s32 v1, v3;
	_ =	sdelay $0x2  }
0x113: {  	[tilespmem:s0], [sflag:$0x3] =	stream.indirect_vreg.gather [hbm4b:s3+s2], $0x80, v4, vm0, $0xb8;
	[tilespmem:$0x1C500] =	vst v63  }
0x114: {  	_ = 	snop  }
0x115: {  	[tilespmem:s9], [sflag:$0x3] =	stream.indirect_vreg.gather [hbm4b:s3+s2], $0x80, v3, vm0, $0xb8;
	[tilespmem:$0x1C500] =	vst v63  }
0x116: {  	v3 =	vld [tilespmem:$0x4290];
	_ =	sdelay $0x4  }
0x117: {  	v53 =	vshll.u32 v3, $0x1  }
0x118: {  	v3 =	vand.u32 $0x7, v3;
	v4 =	vand.u32 $0xFFFFFFF0, v53  }
0x119: {  	v3 =	vor.u32 v3, v4  }
0x11a: {  	v4 =	vperm.xlane v3, v0;
	_ =	sdelay $0x1  }
0x11b: {  	v3 =	vperm.xlane v3, v2;
	v4 =	vadd.s32 v1, v4;
	_ =	sdelay $0x1  }
0x11c: {  	v3 =	vadd.s32 v1, v3;
	_ =	sdelay $0x2  }
0x11d: {  	[tilespmem:s10], [sflag:$0x3] =	stream.indirect_vreg.gather [hbm4b:s3+s2], $0x80, v4, vm0, $0xb8;
	[tilespmem:$0x1C500] =	vst v63  }
0x11e: {  	_ = 	snop  }
0x11f: {  	[tilespmem:s11], [sflag:$0x3] =	stream.indirect_vreg.gather [hbm4b:s3+s2], $0x80, v3, vm0, $0xb8;
	[tilespmem:$0x1C500] =	vst v63  }
0x120: {  	v3 =	vld [tilespmem:$0x42A0];
	_ =	sdelay $0x4  }
0x121: {  	v54 =	vshll.u32 v3, $0x1  }
0x122: {  	v3 =	vand.u32 $0x7, v3;
	v4 =	vand.u32 $0xFFFFFFF0, v54  }
0x123: {  	v3 =	vor.u32 v3, v4  }
0x124: {  	v4 =	vperm.xlane v3, v0;
	_ =	sdelay $0x1  }
0x125: {  	v3 =	vperm.xlane v3, v2;
	v4 =	vadd.s32 v1, v4;
	_ =	sdelay $0x1  }
0x126: {  	v3 =	vadd.s32 v1, v3;
	_ =	sdelay $0x2  }
0x127: {  	[tilespmem:s30], [sflag:$0x3] =	stream.indirect_vreg.gather [hbm4b:s3+s2], $0x80, v4, vm0, $0xb8;
	[tilespmem:$0x1C500] =	vst v63  }
0x128: {  	_ = 	snop  }
0x129: {  	[tilespmem:s31], [sflag:$0x3] =	stream.indirect_vreg.gather [hbm4b:s3+s2], $0x80, v3, vm0, $0xb8;
	[tilespmem:$0x1C500] =	vst v63  }
0x12a: {  	v3 =	vld [tilespmem:$0x42B0];
	_ =	sdelay $0x4  }
0x12b: {  	v55 =	vshll.u32 v3, $0x1  }
0x12c: {  	v3 =	vand.u32 $0x7, v3;
	v4 =	vand.u32 $0xFFFFFFF0, v55  }
0x12d: {  	v3 =	vor.u32 v3, v4  }
0x12e: {  	v4 =	vperm.xlane v3, v0;
	_ =	sdelay $0x1  }
0x12f: {  	v3 =	vperm.xlane v3, v2;
	v4 =	vadd.s32 v1, v4;
	_ =	sdelay $0x1  }
0x130: {  	v3 =	vadd.s32 v1, v3;
	_ =	sdelay $0x2  }
0x131: {  	[tilespmem:s20], [sflag:$0x3] =	stream.indirect_vreg.gather [hbm4b:s3+s2], $0x80, v4, vm0, $0xb8;
	[tilespmem:$0x1C500] =	vst v63  }
0x132: {  	_ = 	snop  }
0x133: {  	[tilespmem:s21], [sflag:$0x3] =	stream.indirect_vreg.gather [hbm4b:s3+s2], $0x80, v3, vm0, $0xb8;
	[tilespmem:$0x1C500] =	vst v63  }
0x134: {  	v3 =	vld [tilespmem:$0x4300];
	_ =	sdelay $0x4  }
0x135: {  	v56 =	vshll.u32 v3, $0x1  }
0x136: {  	v3 =	vand.u32 $0x7, v3;
	v4 =	vand.u32 $0xFFFFFFF0, v56  }
0x137: {  	v3 =	vor.u32 v3, v4  }
0x138: {  	v4 =	vperm.xlane v3, v0;
	_ =	sdelay $0x1  }
0x139: {  	v3 =	vperm.xlane v3, v2;
	v4 =	vadd.s32 v1, v4;
	_ =	sdelay $0x1  }
0x13a: {  	v3 =	vadd.s32 v1, v3;
	_ =	sdelay $0x1  }
0x13b: {  	s23 =	simm.s32 $0x10500  }
0x13c: {  	[tilespmem:s23], [sflag:$0x4] =	stream.indirect_vreg.gather [hbm4b:s3+s2], $0x80, v4, vm0, $0xb8;
	[tilespmem:$0x1C500] =	vst v63  }
0x13d: {  	s24 =	simm.s32 $0x10D00  }
0x13e: {  	[tilespmem:s24], [sflag:$0x4] =	stream.indirect_vreg.gather [hbm4b:s3+s2], $0x80, v3, vm0, $0xb8;
	[tilespmem:$0x1C500] =	vst v63  }
0x13f: {  	v3 =	vld [tilespmem:$0x4310];
	_ =	sdelay $0x4  }
0x140: {  	v57 =	vshll.u32 v3, $0x1  }
0x141: {  	v3 =	vand.u32 $0x7, v3;
	v4 =	vand.u32 $0xFFFFFFF0, v57  }
0x142: {  	v3 =	vor.u32 v3, v4  }
0x143: {  	v4 =	vperm.xlane v3, v0;
	_ =	sdelay $0x1  }
0x144: {  	v3 =	vperm.xlane v3, v2;
	v4 =	vadd.s32 v1, v4;
	_ =	sdelay $0x1  }
0x145: {  	v3 =	vadd.s32 v1, v3;
	_ =	sdelay $0x1  }
0x146: {  	s25 =	simm.s32 $0x11500  }
0x147: {  	[tilespmem:s25], [sflag:$0x4] =	stream.indirect_vreg.gather [hbm4b:s3+s2], $0x80, v4, vm0, $0xb8;
	[tilespmem:$0x1C500] =	vst v63  }
0x148: {  	s26 =	simm.s32 $0x11D00  }
0x149: {  	[tilespmem:s26], [sflag:$0x4] =	stream.indirect_vreg.gather [hbm4b:s3+s2], $0x80, v3, vm0, $0xb8;
	[tilespmem:$0x1C500] =	vst v63  }
0x14a: {  	v3 =	vld [tilespmem:$0x4320];
	_ =	sdelay $0x4  }
0x14b: {  	v58 =	vshll.u32 v3, $0x1  }
0x14c: {  	v3 =	vand.u32 $0x7, v3;
	v4 =	vand.u32 $0xFFFFFFF0, v58  }
0x14d: {  	v3 =	vor.u32 v3, v4  }
0x14e: {  	v4 =	vperm.xlane v3, v0;
	_ =	sdelay $0x1  }
0x14f: {  	v3 =	vperm.xlane v3, v2;
	v4 =	vadd.s32 v1, v4;
	_ =	sdelay $0x1  }
0x150: {  	v3 =	vadd.s32 v1, v3;
	_ =	sdelay $0x1  }
0x151: {  	s28 =	simm.s32 $0x12500  }
0x152: {  	[tilespmem:s28], [sflag:$0x4] =	stream.indirect_vreg.gather [hbm4b:s3+s2], $0x80, v4, vm0, $0xb8;
	[tilespmem:$0x1C500] =	vst v63  }
0x153: {  	s29 =	simm.s32 $0x12D00  }
0x154: {  	[tilespmem:s29], [sflag:$0x4] =	stream.indirect_vreg.gather [hbm4b:s3+s2], $0x80, v3, vm0, $0xb8;
	[tilespmem:$0x1C500] =	vst v63  }
0x155: {  	v3 =	vld [tilespmem:$0x4330];
	_ =	sdelay $0x4  }
0x156: {  	v59 =	vshll.u32 v3, $0x1  }
0x157: {  	v3 =	vand.u32 $0x7, v3;
	v4 =	vand.u32 $0xFFFFFFF0, v59  }
0x158: {  	v3 =	vor.u32 v3, v4  }
0x159: {  	v4 =	vperm.xlane v3, v0;
	_ =	sdelay $0x1  }
0x15a: {  	v3 =	vperm.xlane v3, v2;
	v4 =	vadd.s32 v1, v4;
	_ =	sdelay $0x1  }
0x15b: {  	v3 =	vadd.s32 v1, v3;
	_ =	sdelay $0x1  }
0x15c: {  	s30 =	simm.s32 $0x13500  }
0x15d: {  	[tilespmem:s30], [sflag:$0x4] =	stream.indirect_vreg.gather [hbm4b:s3+s2], $0x80, v4, vm0, $0xb8;
	[tilespmem:$0x1C500] =	vst v63  }
0x15e: {  	s31 =	simm.s32 $0x13D00  }
0x15f: {  	[tilespmem:s31], [sflag:$0x4] =	stream.indirect_vreg.gather [hbm4b:s3+s2], $0x80, v3, vm0, $0xb8;
	[tilespmem:$0x1C500] =	vst v63  }
0x160: {  	v3 =	vld [tilespmem:$0x4380];
	_ =	sdelay $0x4  }
0x161: {  	v60 =	vshll.u32 v3, $0x1  }
0x162: {  	v3 =	vand.u32 $0x7, v3;
	v4 =	vand.u32 $0xFFFFFFF0, v60  }
0x163: {  	v3 =	vor.u32 v3, v4  }
0x164: {  	v4 =	vperm.xlane v3, v0;
	_ =	sdelay $0x1  }
0x165: {  	v3 =	vperm.xlane v3, v2;
	v4 =	vadd.s32 v1, v4;
	_ =	sdelay $0x1  }
0x166: {  	v3 =	vadd.s32 v1, v3;
	_ =	sdelay $0x2  }
0x167: {  	[tilespmem:s23], [sflag:$0x4] =	stream.indirect_vreg.gather [hbm4b:s3+s2], $0x80, v4, vm0, $0xb8;
	[tilespmem:$0x1C500] =	vst v63  }
0x168: {  	_ = 	snop  }
0x169: {  	[tilespmem:s24], [sflag:$0x4] =	stream.indirect_vreg.gather [hbm4b:s3+s2], $0x80, v3, vm0, $0xb8;
	[tilespmem:$0x1C500] =	vst v63  }
0x16a: {  	v3 =	vld [tilespmem:$0x4390];
	_ =	sdelay $0x4  }
0x16b: {  	v61 =	vshll.u32 v3, $0x1  }
0x16c: {  	v3 =	vand.u32 $0x7, v3;
	v4 =	vand.u32 $0xFFFFFFF0, v61  }
0x16d: {  	v3 =	vor.u32 v3, v4  }
0x16e: {  	v4 =	vperm.xlane v3, v0;
	_ =	sdelay $0x1  }
0x16f: {  	v3 =	vperm.xlane v3, v2;
	v4 =	vadd.s32 v1, v4;
	_ =	sdelay $0x1  }
0x170: {  	v3 =	vadd.s32 v1, v3;
	_ =	sdelay $0x2  }
0x171: {  	[tilespmem:s25], [sflag:$0x4] =	stream.indirect_vreg.gather [hbm4b:s3+s2], $0x80, v4, vm0, $0xb8;
	[tilespmem:$0x1C500] =	vst v63  }
0x172: {  	_ = 	snop  }
0x173: {  	[tilespmem:s26], [sflag:$0x4] =	stream.indirect_vreg.gather [hbm4b:s3+s2], $0x80, v3, vm0, $0xb8;
	[tilespmem:$0x1C500] =	vst v63  }
0x174: {  	v3 =	vld [tilespmem:$0x43A0];
	_ =	sdelay $0x4  }
0x175: {  	v62 =	vshll.u32 v3, $0x1  }
0x176: {  	v3 =	vand.u32 $0x7, v3;
	v4 =	vand.u32 $0xFFFFFFF0, v62  }
0x177: {  	v3 =	vor.u32 v3, v4  }
0x178: {  	v4 =	vperm.xlane v3, v0;
	_ =	sdelay $0x1  }
0x179: {  	v3 =	vperm.xlane v3, v2;
	v4 =	vadd.s32 v1, v4;
	_ =	sdelay $0x1  }
0x17a: {  	v3 =	vadd.s32 v1, v3;
	_ =	sdelay $0x2  }
0x17b: {  	[tilespmem:s28], [sflag:$0x4] =	stream.indirect_vreg.gather [hbm4b:s3+s2], $0x80, v4, vm0, $0xb8;
	[tilespmem:$0x1C500] =	vst v63  }
0x17c: {  	_ = 	snop  }
0x17d: {  	[tilespmem:s29], [sflag:$0x4] =	stream.indirect_vreg.gather [hbm4b:s3+s2], $0x80, v3, vm0, $0xb8;
	[tilespmem:$0x1C500] =	vst v63  }
0x17e: {  	v3 =	vld [tilespmem:$0x43B0];
	_ =	sdelay $0x4  }
0x17f: {  	v63 =	vshll.u32 v3, $0x1  }
0x180: {  	v3 =	vand.u32 $0x7, v3;
	v4 =	vand.u32 $0xFFFFFFF0, v63  }
0x181: {  	v3 =	vor.u32 v3, v4  }
0x182: {  	v4 =	vperm.xlane v3, v0;
	_ =	sdelay $0x1  }
0x183: {  	v3 =	vperm.xlane v3, v2;
	v4 =	vadd.s32 v1, v4;
	_ =	sdelay $0x1  }
0x184: {  	v3 =	vadd.s32 v1, v3;
	_ =	sdelay $0x1  }
0x185: {  	s16 =	simm.s32 $0x20  }
0x186: {  	[tilespmem:s30], [sflag:$0x4] =	stream.indirect_vreg.gather [hbm4b:s3+s2], $0x80, v4, vm0, $0xb8;
	[tilespmem:$0x1C500] =	vst v63  }
0x187: {  	s18 =	simm.s32 $0x10;
	s17 =	simm.s32 $0x2010;
	s19 =	simm.s32 $0x0  }
0x188: {  	[tilespmem:s31], [sflag:$0x4] =	stream.indirect_vreg.gather [hbm4b:s3+s2], $0x80, v3, vm0, $0xb8;
	[tilespmem:$0x1C500] =	vst v63  }
.LBB2_2:
0x189: {  	p0 =	seq.s32 s19, $0x0  }
0x18a: {  	s20 =	simm.s32 @!p0 $0x5  }
0x18b: {  	_ =	swait.ge @!p0 [sflag:s20], $0x4000  }
0x18c: {  	[sflag:s20] =	ssyncset.done @!p0 $0x0  }
0x18d: {  	[sflag:s20] =	ssyncadd.s32 @!p0 $0xFFFFC000  }
0x18e: {  	v3 =	vld [tilespmem:s18+$0x0]  }
0x18f: {  	v4 =	vld [tilespmem:s17+$0x0];
	_ =	sdelay $0x4  }
0x190: {  	v3 =	vmul.f32 $1.270000000e+02, v3;
	v4 =	vmul.f32 $1.270000000e+02, v4;
	_ =	sdelay $0x1  }
0x191: {  	v5 =	vtrunc.f32 v3;
	v6 =	vtrunc.f32 v4  }
0x192: {  	v5 =	vcvt.f32.s32 v5;
	v6 =	vcvt.f32.s32 v6;
	_ =	sdelay $0x1  }
0x193: {  	v7 =	vshll.u32 v5, $0x9;
	v8 =	vshll.u32 v6, $0x2  }
0x194: {  	v7 =	vadd.s32 v7, v8  }
0x195: {  	[tilespmem:$0x4080] =	vst v7;
	v8 =	vadd.s32 $0x200, v7  }
0x196: {  	v51 =	vadd.s32 $0x4, v7;
	[tilespmem:$0x4090] =	vst v8  }
0x197: {  	v52 =	vadd.s32 $0x204, v7;
	[tilespmem:$0x40A0] =	vst v51  }
0x198: {  	v53 =	vor.u32 $0x1, v7;
	[tilespmem:$0x40B0] =	vst v52  }
0x199: {  	v54 =	vadd.s32 $0x201, v7;
	[tilespmem:$0x4180] =	vst v53  }
0x19a: {  	v55 =	vadd.s32 $0x5, v7;
	[tilespmem:$0x4190] =	vst v54  }
0x19b: {  	v56 =	vadd.s32 $0x205, v7;
	[tilespmem:$0x41A0] =	vst v55  }
0x19c: {  	v57 =	vor.u32 $0x2, v7;
	[tilespmem:$0x41B0] =	vst v56  }
0x19d: {  	v58 =	vadd.s32 $0x202, v7;
	[tilespmem:$0x4280] =	vst v57  }
0x19e: {  	v59 =	vadd.s32 $0x6, v7;
	[tilespmem:$0x4290] =	vst v58  }
0x19f: {  	v60 =	vadd.s32 $0x206, v7;
	[tilespmem:$0x42A0] =	vst v59  }
0x1a0: {  	v61 =	vor.u32 $0x3, v7;
	[tilespmem:$0x42B0] =	vst v60  }
0x1a1: {  	v5 =	vcvt.s32.f32 v5;
	v62 =	vadd.s32 $0x203, v7;
	[tilespmem:$0x4380] =	vst v61  }
0x1a2: {  	v6 =	vcvt.s32.f32 v6;
	v63 =	vadd.s32 $0x7, v7;
	[tilespmem:$0x4390] =	vst v62  }
0x1a3: {  	v3 =	vsub.f32 v3, v5;
	v12 =	vadd.s32 $0x207, v7;
	[tilespmem:$0x43A0] =	vst v63  }
0x1a4: {  	v4 =	vsub.f32 v4, v6;
	[tilespmem:$0x43B0] =	vst v12  }
0x1a5: {  	[tilespmem:$0x4480] =	vst v3  }
0x1a6: {  	s0 =	simm.s32 $0x1;
	[tilespmem:$0x4490] =	vst v4  }
0x1a7: {  	_ =	swait.ge [sflag:s0], $0x4000  }
0x1a8: {  	[sflag:s0] =	ssyncset.done $0x0  }
0x1a9: {  	[sflag:s0] =	ssyncadd.s32 $0xFFFFC000  }
0x1aa: {  	v3 =	vld [tilespmem:$0x4080];
	_ =	sdelay $0x4  }
0x1ab: {  	v13 =	vshll.u32 v3, $0x1  }
0x1ac: {  	v3 =	vand.u32 $0x7, v3;
	v4 =	vand.u32 $0xFFFFFFF0, v13  }
0x1ad: {  	v3 =	vor.u32 v3, v4  }
0x1ae: {  	v4 =	vperm.xlane v3, v0;
	_ =	sdelay $0x1  }
0x1af: {  	v3 =	vperm.xlane v3, v2;
	v4 =	vadd.s32 v1, v4;
	_ =	sdelay $0x1  }
0x1b0: {  	v3 =	vadd.s32 v1, v3;
	_ =	sdelay $0x2  }
0x1b1: {  	[tilespmem:s22], [sflag:$0x1] =	stream.indirect_vreg.gather [hbm4b:s3+s2], $0x80, v4, vm0, $0xb8;
	[tilespmem:$0x1C500] =	vst v63  }
0x1b2: {  	s1 =	simm.s32 $0x4D00  }
0x1b3: {  	[tilespmem:s1], [sflag:$0x1] =	stream.indirect_vreg.gather [hbm4b:s3+s2], $0x80, v3, vm0, $0xb8;
	[tilespmem:$0x1C500] =	vst v63  }
0x1b4: {  	v3 =	vld [tilespmem:$0x4090];
	_ =	sdelay $0x4  }
0x1b5: {  	v14 =	vshll.u32 v3, $0x1  }
0x1b6: {  	v3 =	vand.u32 $0x7, v3;
	v4 =	vand.u32 $0xFFFFFFF0, v14  }
0x1b7: {  	v3 =	vor.u32 v3, v4  }
0x1b8: {  	v4 =	vperm.xlane v3, v0;
	_ =	sdelay $0x1  }
0x1b9: {  	v3 =	vperm.xlane v3, v2;
	v4 =	vadd.s32 v1, v4;
	_ =	sdelay $0x1  }
0x1ba: {  	v3 =	vadd.s32 v1, v3;
	_ =	sdelay $0x1  }
0x1bb: {  	s9 =	simm.s32 $0x5500  }
0x1bc: {  	[tilespmem:s9], [sflag:$0x1] =	stream.indirect_vreg.gather [hbm4b:s3+s2], $0x80, v4, vm0, $0xb8;
	[tilespmem:$0x1C500] =	vst v63  }
0x1bd: {  	s9 =	simm.s32 $0x5D00  }
0x1be: {  	[tilespmem:s9], [sflag:$0x1] =	stream.indirect_vreg.gather [hbm4b:s3+s2], $0x80, v3, vm0, $0xb8;
	[tilespmem:$0x1C500] =	vst v63  }
0x1bf: {  	v3 =	vld [tilespmem:$0x40A0];
	_ =	sdelay $0x4  }
0x1c0: {  	v15 =	vshll.u32 v3, $0x1  }
0x1c1: {  	v3 =	vand.u32 $0x7, v3;
	v4 =	vand.u32 $0xFFFFFFF0, v15  }
0x1c2: {  	v3 =	vor.u32 v3, v4  }
0x1c3: {  	v4 =	vperm.xlane v3, v0;
	_ =	sdelay $0x1  }
0x1c4: {  	v3 =	vperm.xlane v3, v2;
	v4 =	vadd.s32 v1, v4;
	_ =	sdelay $0x1  }
0x1c5: {  	v3 =	vadd.s32 v1, v3;
	_ =	sdelay $0x1  }
0x1c6: {  	s10 =	simm.s32 $0x6500  }
0x1c7: {  	[tilespmem:s10], [sflag:$0x1] =	stream.indirect_vreg.gather [hbm4b:s3+s2], $0x80, v4, vm0, $0xb8;
	[tilespmem:$0x1C500] =	vst v63  }
0x1c8: {  	s11 =	simm.s32 $0x6D00  }
0x1c9: {  	[tilespmem:s11], [sflag:$0x1] =	stream.indirect_vreg.gather [hbm4b:s3+s2], $0x80, v3, vm0, $0xb8;
	[tilespmem:$0x1C500] =	vst v63  }
0x1ca: {  	v3 =	vld [tilespmem:$0x40B0];
	_ =	sdelay $0x4  }
0x1cb: {  	v16 =	vshll.u32 v3, $0x1  }
0x1cc: {  	v3 =	vand.u32 $0x7, v3;
	v4 =	vand.u32 $0xFFFFFFF0, v16  }
0x1cd: {  	v3 =	vor.u32 v3, v4  }
0x1ce: {  	v4 =	vperm.xlane v3, v0;
	_ =	sdelay $0x1  }
0x1cf: {  	v3 =	vperm.xlane v3, v2;
	v4 =	vadd.s32 v1, v4;
	_ =	sdelay $0x1  }
0x1d0: {  	v3 =	vadd.s32 v1, v3;
	_ =	sdelay $0x1  }
0x1d1: {  	s25 =	simm.s32 $0x7500  }
0x1d2: {  	[tilespmem:s25], [sflag:$0x1] =	stream.indirect_vreg.gather [hbm4b:s3+s2], $0x80, v4, vm0, $0xb8;
	[tilespmem:$0x1C500] =	vst v63  }
0x1d3: {  	s21 =	simm.s32 $0x7D00  }
0x1d4: {  	[tilespmem:s21], [sflag:$0x1] =	stream.indirect_vreg.gather [hbm4b:s3+s2], $0x80, v3, vm0, $0xb8;
	[tilespmem:$0x1C500] =	vst v63  }
0x1d5: {  	_ =	swait.ge [sflag:s13], $0x4000  }
0x1d6: {  	[sflag:s13] =	ssyncset.done $0x0  }
0x1d7: {  	[sflag:s13] =	ssyncadd.s32 $0xFFFFC000  }
0x1d8: {  	v3 =	vld [tilespmem:$0x4180];
	_ =	sdelay $0x4  }
0x1d9: {  	v17 =	vshll.u32 v3, $0x1  }
0x1da: {  	v3 =	vand.u32 $0x7, v3;
	v4 =	vand.u32 $0xFFFFFFF0, v17  }
0x1db: {  	v3 =	vor.u32 v3, v4  }
0x1dc: {  	v4 =	vperm.xlane v3, v0;
	_ =	sdelay $0x1  }
0x1dd: {  	v3 =	vperm.xlane v3, v2;
	v4 =	vadd.s32 v1, v4;
	_ =	sdelay $0x1  }
0x1de: {  	v3 =	vadd.s32 v1, v3;
	_ =	sdelay $0x1  }
0x1df: {  	s22 =	simm.s32 $0x8500  }
0x1e0: {  	[tilespmem:s22], [sflag:$0x2] =	stream.indirect_vreg.gather [hbm4b:s3+s2], $0x80, v4, vm0, $0xb8;
	[tilespmem:$0x1C500] =	vst v63  }
0x1e1: {  	s28 =	simm.s32 $0x8D00  }
0x1e2: {  	[tilespmem:s28], [sflag:$0x2] =	stream.indirect_vreg.gather [hbm4b:s3+s2], $0x80, v3, vm0, $0xb8;
	[tilespmem:$0x1C500] =	vst v63  }
0x1e3: {  	v3 =	vld [tilespmem:$0x4190];
	_ =	sdelay $0x4  }
0x1e4: {  	v18 =	vshll.u32 v3, $0x1  }
0x1e5: {  	v3 =	vand.u32 $0x7, v3;
	v4 =	vand.u32 $0xFFFFFFF0, v18  }
0x1e6: {  	v3 =	vor.u32 v3, v4  }
0x1e7: {  	v4 =	vperm.xlane v3, v0;
	_ =	sdelay $0x1  }
0x1e8: {  	v3 =	vperm.xlane v3, v2;
	v4 =	vadd.s32 v1, v4;
	_ =	sdelay $0x1  }
0x1e9: {  	v3 =	vadd.s32 v1, v3;
	_ =	sdelay $0x1  }
0x1ea: {  	s7 =	simm.s32 $0x9500  }
0x1eb: {  	[tilespmem:s7], [sflag:$0x2] =	stream.indirect_vreg.gather [hbm4b:s3+s2], $0x80, v4, vm0, $0xb8;
	[tilespmem:$0x1C500] =	vst v63  }
0x1ec: {  	_ = 	snop  }
0x1ed: {  	[tilespmem:s12], [sflag:$0x2] =	stream.indirect_vreg.gather [hbm4b:s3+s2], $0x80, v3, vm0, $0xb8;
	[tilespmem:$0x1C500] =	vst v63  }
0x1ee: {  	v3 =	vld [tilespmem:$0x41A0];
	_ =	sdelay $0x4  }
0x1ef: {  	v19 =	vshll.u32 v3, $0x1  }
0x1f0: {  	v3 =	vand.u32 $0x7, v3;
	v4 =	vand.u32 $0xFFFFFFF0, v19  }
0x1f1: {  	v3 =	vor.u32 v3, v4  }
0x1f2: {  	v4 =	vperm.xlane v3, v0;
	_ =	sdelay $0x1  }
0x1f3: {  	v3 =	vperm.xlane v3, v2;
	v4 =	vadd.s32 v1, v4;
	_ =	sdelay $0x1  }
0x1f4: {  	v3 =	vadd.s32 v1, v3;
	_ =	sdelay $0x1  }
0x1f5: {  	s23 =	simm.s32 $0xA500  }
0x1f6: {  	[tilespmem:s23], [sflag:$0x2] =	stream.indirect_vreg.gather [hbm4b:s3+s2], $0x80, v4, vm0, $0xb8;
	[tilespmem:$0x1C500] =	vst v63  }
0x1f7: {  	s24 =	simm.s32 $0xAD00  }
0x1f8: {  	[tilespmem:s24], [sflag:$0x2] =	stream.indirect_vreg.gather [hbm4b:s3+s2], $0x80, v3, vm0, $0xb8;
	[tilespmem:$0x1C500] =	vst v63  }
0x1f9: {  	v3 =	vld [tilespmem:$0x41B0];
	_ =	sdelay $0x4  }
0x1fa: {  	v20 =	vshll.u32 v3, $0x1  }
0x1fb: {  	v3 =	vand.u32 $0x7, v3;
	v4 =	vand.u32 $0xFFFFFFF0, v20  }
0x1fc: {  	v3 =	vor.u32 v3, v4  }
0x1fd: {  	v4 =	vperm.xlane v3, v0;
	_ =	sdelay $0x1  }
0x1fe: {  	v3 =	vperm.xlane v3, v2;
	v4 =	vadd.s32 v1, v4;
	_ =	sdelay $0x1  }
0x1ff: {  	v3 =	vadd.s32 v1, v3;
	_ =	sdelay $0x1  }
0x200: {  	s26 =	simm.s32 $0xB500  }
0x201: {  	[tilespmem:s26], [sflag:$0x2] =	stream.indirect_vreg.gather [hbm4b:s3+s2], $0x80, v4, vm0, $0xb8;
	[tilespmem:$0x1C500] =	vst v63  }
0x202: {  	s29 =	simm.s32 $0xBD00  }
0x203: {  	[tilespmem:s29], [sflag:$0x2] =	stream.indirect_vreg.gather [hbm4b:s3+s2], $0x80, v3, vm0, $0xb8;
	[tilespmem:$0x1C500] =	vst v63  }
0x204: {  	_ =	swait.ge [sflag:s14], $0x4000  }
0x205: {  	[sflag:s14] =	ssyncset.done $0x0  }
0x206: {  	[sflag:s14] =	ssyncadd.s32 $0xFFFFC000  }
0x207: {  	v3 =	vld [tilespmem:$0x4280];
	_ =	sdelay $0x4  }
0x208: {  	v21 =	vshll.u32 v3, $0x1  }
0x209: {  	v3 =	vand.u32 $0x7, v3;
	v4 =	vand.u32 $0xFFFFFFF0, v21  }
0x20a: {  	v3 =	vor.u32 v3, v4  }
0x20b: {  	v4 =	vperm.xlane v3, v0;
	_ =	sdelay $0x1  }
0x20c: {  	v3 =	vperm.xlane v3, v2;
	v4 =	vadd.s32 v1, v4;
	_ =	sdelay $0x1  }
0x20d: {  	v3 =	vadd.s32 v1, v3;
	_ =	sdelay $0x1  }
0x20e: {  	s6 =	simm.s32 $0xC500  }
0x20f: {  	[tilespmem:s6], [sflag:$0x3] =	stream.indirect_vreg.gather [hbm4b:s3+s2], $0x80, v4, vm0, $0xb8;
	[tilespmem:$0x1C500] =	vst v63  }
0x210: {  	s31 =	simm.s32 $0xCD00  }
0x211: {  	[tilespmem:s31], [sflag:$0x3] =	stream.indirect_vreg.gather [hbm4b:s3+s2], $0x80, v3, vm0, $0xb8;
	[tilespmem:$0x1C500] =	vst v63  }
0x212: {  	v3 =	vld [tilespmem:$0x4290];
	_ =	sdelay $0x4  }
0x213: {  	v22 =	vshll.u32 v3, $0x1  }
0x214: {  	v3 =	vand.u32 $0x7, v3;
	v4 =	vand.u32 $0xFFFFFFF0, v22  }
0x215: {  	v3 =	vor.u32 v3, v4  }
0x216: {  	v4 =	vperm.xlane v3, v0;
	_ =	sdelay $0x1  }
0x217: {  	v3 =	vperm.xlane v3, v2;
	v4 =	vadd.s32 v1, v4;
	_ =	sdelay $0x1  }
0x218: {  	v3 =	vadd.s32 v1, v3;
	_ =	sdelay $0x1  }
0x219: {  	s5 =	simm.s32 $0xD500  }
0x21a: {  	[tilespmem:s5], [sflag:$0x3] =	stream.indirect_vreg.gather [hbm4b:s3+s2], $0x80, v4, vm0, $0xb8;
	[tilespmem:$0x1C500] =	vst v63  }
0x21b: {  	s4 =	simm.s32 $0xDD00  }
0x21c: {  	[tilespmem:s4], [sflag:$0x3] =	stream.indirect_vreg.gather [hbm4b:s3+s2], $0x80, v3, vm0, $0xb8;
	[tilespmem:$0x1C500] =	vst v63  }
0x21d: {  	v3 =	vld [tilespmem:$0x42A0];
	_ =	sdelay $0x4  }
0x21e: {  	v23 =	vshll.u32 v3, $0x1  }
0x21f: {  	v3 =	vand.u32 $0x7, v3;
	v4 =	vand.u32 $0xFFFFFFF0, v23  }
0x220: {  	v3 =	vor.u32 v3, v4  }
0x221: {  	v4 =	vperm.xlane v3, v0;
	_ =	sdelay $0x1  }
0x222: {  	v3 =	vperm.xlane v3, v2;
	v4 =	vadd.s32 v1, v4;
	_ =	sdelay $0x1  }
0x223: {  	v3 =	vadd.s32 v1, v3;
	_ =	sdelay $0x1  }
0x224: {  	s30 =	simm.s32 $0xE500  }
0x225: {  	[tilespmem:s30], [sflag:$0x3] =	stream.indirect_vreg.gather [hbm4b:s3+s2], $0x80, v4, vm0, $0xb8;
	[tilespmem:$0x1C500] =	vst v63  }
0x226: {  	s8 =	simm.s32 $0xED00  }
0x227: {  	[tilespmem:s8], [sflag:$0x3] =	stream.indirect_vreg.gather [hbm4b:s3+s2], $0x80, v3, vm0, $0xb8;
	[tilespmem:$0x1C500] =	vst v63  }
0x228: {  	v3 =	vld [tilespmem:$0x42B0];
	_ =	sdelay $0x4  }
0x229: {  	v24 =	vshll.u32 v3, $0x1  }
0x22a: {  	v3 =	vand.u32 $0x7, v3;
	v4 =	vand.u32 $0xFFFFFFF0, v24  }
0x22b: {  	v3 =	vor.u32 v3, v4  }
0x22c: {  	v4 =	vperm.xlane v3, v0;
	_ =	sdelay $0x1  }
0x22d: {  	v3 =	vperm.xlane v3, v2;
	v4 =	vadd.s32 v1, v4;
	_ =	sdelay $0x1  }
0x22e: {  	v3 =	vadd.s32 v1, v3;
	_ =	sdelay $0x1  }
0x22f: {  	s11 =	simm.s32 $0xF500  }
0x230: {  	[tilespmem:s11], [sflag:$0x3] =	stream.indirect_vreg.gather [hbm4b:s3+s2], $0x80, v4, vm0, $0xb8;
	[tilespmem:$0x1C500] =	vst v63  }
0x231: {  	s23 =	simm.s32 $0xFD00  }
0x232: {  	[tilespmem:s23], [sflag:$0x3] =	stream.indirect_vreg.gather [hbm4b:s3+s2], $0x80, v3, vm0, $0xb8;
	[tilespmem:$0x1C500] =	vst v63  }
0x233: {  	_ =	swait.ge [sflag:s15], $0x4000  }
0x234: {  	[sflag:s15] =	ssyncset.done $0x0  }
0x235: {  	[sflag:s15] =	ssyncadd.s32 $0xFFFFC000  }
0x236: {  	v3 =	vld [tilespmem:$0x4380];
	_ =	sdelay $0x4  }
0x237: {  	v25 =	vshll.u32 v3, $0x1  }
0x238: {  	v3 =	vand.u32 $0x7, v3;
	v4 =	vand.u32 $0xFFFFFFF0, v25  }
0x239: {  	v3 =	vor.u32 v3, v4  }
0x23a: {  	v4 =	vperm.xlane v3, v0;
	_ =	sdelay $0x1  }
0x23b: {  	v3 =	vperm.xlane v3, v2;
	v4 =	vadd.s32 v1, v4;
	_ =	sdelay $0x1  }
0x23c: {  	v3 =	vadd.s32 v1, v3;
	_ =	sdelay $0x1  }
0x23d: {  	s29 =	simm.s32 $0x10500  }
0x23e: {  	[tilespmem:s29], [sflag:$0x4] =	stream.indirect_vreg.gather [hbm4b:s3+s2], $0x80, v4, vm0, $0xb8;
	[tilespmem:$0x1C500] =	vst v63  }
0x23f: {  	s10 =	simm.s32 $0x10D00  }
0x240: {  	[tilespmem:s10], [sflag:$0x4] =	stream.indirect_vreg.gather [hbm4b:s3+s2], $0x80, v3, vm0, $0xb8;
	[tilespmem:$0x1C500] =	vst v63  }
0x241: {  	v3 =	vld [tilespmem:$0x4390];
	_ =	sdelay $0x4  }
0x242: {  	v26 =	vshll.u32 v3, $0x1  }
0x243: {  	v3 =	vand.u32 $0x7, v3;
	v4 =	vand.u32 $0xFFFFFFF0, v26  }
0x244: {  	v3 =	vor.u32 v3, v4  }
0x245: {  	v4 =	vperm.xlane v3, v0;
	_ =	sdelay $0x1  }
0x246: {  	v3 =	vperm.xlane v3, v2;
	v4 =	vadd.s32 v1, v4;
	_ =	sdelay $0x1  }
0x247: {  	v3 =	vadd.s32 v1, v3;
	_ =	sdelay $0x1  }
0x248: {  	s1 =	simm.s32 $0x11500  }
0x249: {  	[tilespmem:s1], [sflag:$0x4] =	stream.indirect_vreg.gather [hbm4b:s3+s2], $0x80, v4, vm0, $0xb8;
	[tilespmem:$0x1C500] =	vst v63  }
0x24a: {  	s10 =	simm.s32 $0x11D00  }
0x24b: {  	[tilespmem:s10], [sflag:$0x4] =	stream.indirect_vreg.gather [hbm4b:s3+s2], $0x80, v3, vm0, $0xb8;
	[tilespmem:$0x1C500] =	vst v63  }
0x24c: {  	v3 =	vld [tilespmem:$0x43A0];
	_ =	sdelay $0x4  }
0x24d: {  	v27 =	vshll.u32 v3, $0x1  }
0x24e: {  	v3 =	vand.u32 $0x7, v3;
	v4 =	vand.u32 $0xFFFFFFF0, v27  }
0x24f: {  	v3 =	vor.u32 v3, v4  }
0x250: {  	v4 =	vperm.xlane v3, v0;
	_ =	sdelay $0x1  }
0x251: {  	v3 =	vperm.xlane v3, v2;
	v4 =	vadd.s32 v1, v4;
	_ =	sdelay $0x1  }
0x252: {  	v3 =	vadd.s32 v1, v3;
	_ =	sdelay $0x1  }
0x253: {  	s26 =	simm.s32 $0x12500  }
0x254: {  	[tilespmem:s26], [sflag:$0x4] =	stream.indirect_vreg.gather [hbm4b:s3+s2], $0x80, v4, vm0, $0xb8;
	[tilespmem:$0x1C500] =	vst v63  }
0x255: {  	s30 =	simm.s32 $0x12D00  }
0x256: {  	[tilespmem:s30], [sflag:$0x4] =	stream.indirect_vreg.gather [hbm4b:s3+s2], $0x80, v3, vm0, $0xb8;
	[tilespmem:$0x1C500] =	vst v63  }
0x257: {  	v3 =	vld [tilespmem:$0x43B0];
	_ =	sdelay $0x4  }
0x258: {  	v28 =	vshll.u32 v3, $0x1  }
0x259: {  	v3 =	vand.u32 $0x7, v3;
	v4 =	vand.u32 $0xFFFFFFF0, v28  }
0x25a: {  	v3 =	vor.u32 v3, v4  }
0x25b: {  	v4 =	vperm.xlane v3, v0;
	_ =	sdelay $0x1  }
0x25c: {  	v3 =	vperm.xlane v3, v2;
	v4 =	vadd.s32 v1, v4;
	_ =	sdelay $0x1  }
0x25d: {  	v3 =	vadd.s32 v1, v3;
	_ =	sdelay $0x1  }
0x25e: {  	s24 =	simm.s32 $0x13500  }
0x25f: {  	[tilespmem:s24], [sflag:$0x4] =	stream.indirect_vreg.gather [hbm4b:s3+s2], $0x80, v4, vm0, $0xb8;
	[tilespmem:$0x1C500] =	vst v63  }
0x260: {  	s8 =	simm.s32 $0x13D00;
	s21 =	rddreg [dreg:$0x3]  }
0x261: {  	[tilespmem:s8], [sflag:$0x4] =	stream.indirect_vreg.gather [hbm4b:s3+s2], $0x80, v3, vm0, $0xb8;
	[tilespmem:$0x1C500] =	vst v63  }
0x262: {  	s22 =	rddreg [dreg:$0x4];
	s21 =	sadd.s32 s19, s21  }
0x263: {  	[hbm4b:s21+s2] =	stream.linear.scatter [tilespmem:s22], [sflag:$0x5], $0x4000, $0x38;
	[tilespmem:$0x1C500] =	vst v63  }
0x264: {  	_ =	swait.ge @!p0 [sflag:s20], $0x4000  }
0x265: {  	p1 =	seq.s32 s19, $0xFF000;
	s22 =	smov.u32 s16;
	[sflag:s20] =	ssyncset.done @!p0 $0x0  }
0x266: {  	s22 =	simm.s32 @p1 $0x0;
	[sflag:s20] =	ssyncadd.s32 @!p0 $0xFFFFC000  }
0x267: {  	v3 =	vld [tilespmem:s22+$0x0]  }
0x268: {  	v29 =	vld [tilespmem:s22+$0x2000];
	_ =	sdelay $0x4  }
0x269: {  	v3 =	vmul.f32 $1.270000000e+02, v3;
	v4 =	vmul.f32 $1.270000000e+02, v29;
	_ =	sdelay $0x1  }
0x26a: {  	v30 =	vtrunc.f32 v3;
	v31 =	vtrunc.f32 v4  }
0x26b: {  	v5 =	vcvt.f32.s32 v30;
	v6 =	vcvt.f32.s32 v31;
	_ =	sdelay $0x1  }
0x26c: {  	v32 =	vshll.u32 v5, $0x9;
	v33 =	vshll.u32 v6, $0x2  }
0x26d: {  	v7 =	vadd.s32 v32, v33  }
0x26e: {  	[tilespmem:$0x4000] =	vst v7;
	v8 =	vadd.s32 $0x200, v7  }
0x26f: {  	v34 =	vadd.s32 $0x4, v7;
	[tilespmem:$0x4010] =	vst v8  }
0x270: {  	v35 =	vadd.s32 $0x204, v7;
	[tilespmem:$0x4020] =	vst v34  }
0x271: {  	v36 =	vor.u32 $0x1, v7;
	[tilespmem:$0x4030] =	vst v35  }
0x272: {  	v37 =	vadd.s32 $0x201, v7;
	[tilespmem:$0x4100] =	vst v36  }
0x273: {  	v38 =	vadd.s32 $0x5, v7;
	[tilespmem:$0x4110] =	vst v37  }
0x274: {  	v39 =	vadd.s32 $0x205, v7;
	[tilespmem:$0x4120] =	vst v38  }
0x275: {  	v40 =	vor.u32 $0x2, v7;
	[tilespmem:$0x4130] =	vst v39  }
0x276: {  	v41 =	vadd.s32 $0x202, v7;
	[tilespmem:$0x4200] =	vst v40  }
0x277: {  	v42 =	vadd.s32 $0x6, v7;
	[tilespmem:$0x4210] =	vst v41  }
0x278: {  	v43 =	vadd.s32 $0x206, v7;
	[tilespmem:$0x4220] =	vst v42  }
0x279: {  	v44 =	vor.u32 $0x3, v7;
	[tilespmem:$0x4230] =	vst v43  }
0x27a: {  	v5 =	vcvt.s32.f32 v5;
	v45 =	vadd.s32 $0x203, v7;
	[tilespmem:$0x4300] =	vst v44  }
0x27b: {  	v6 =	vcvt.s32.f32 v6;
	v46 =	vadd.s32 $0x7, v7;
	[tilespmem:$0x4310] =	vst v45  }
0x27c: {  	v3 =	vsub.f32 v3, v5;
	v47 =	vadd.s32 $0x207, v7;
	[tilespmem:$0x4320] =	vst v46  }
0x27d: {  	v4 =	vsub.f32 v4, v6;
	[tilespmem:$0x4330] =	vst v47  }
0x27e: {  	[tilespmem:$0x4400] =	vst v3  }
0x27f: {  	[tilespmem:$0x4410] =	vst v4  }
0x280: {  	_ =	swait.ge [sflag:s0], $0x4000  }
0x281: {  	[sflag:s0] =	ssyncset.done $0x0  }
0x282: {  	[sflag:s0] =	ssyncadd.s32 $0xFFFFC000  }
0x283: {  	v3 =	vld [tilespmem:$0x4000];
	_ =	sdelay $0x4  }
0x284: {  	v48 =	vshll.u32 v3, $0x1  }
0x285: {  	v3 =	vand.u32 $0x7, v3;
	v4 =	vand.u32 $0xFFFFFFF0, v48  }
0x286: {  	v3 =	vor.u32 v3, v4  }
0x287: {  	v4 =	vperm.xlane v3, v0;
	_ =	sdelay $0x1  }
0x288: {  	v3 =	vperm.xlane v3, v2;
	v4 =	vadd.s32 v1, v4;
	_ =	sdelay $0x1  }
0x289: {  	v3 =	vadd.s32 v1, v3;
	_ =	sdelay $0x1  }
0x28a: {  	s22 =	simm.s32 $0x4500  }
0x28b: {  	[tilespmem:s22], [sflag:$0x1] =	stream.indirect_vreg.gather [hbm4b:s3+s2], $0x80, v4, vm0, $0xb8;
	[tilespmem:$0x1C500] =	vst v63  }
0x28c: {  	s20 =	simm.s32 $0x4D00  }
0x28d: {  	[tilespmem:s20], [sflag:$0x1] =	stream.indirect_vreg.gather [hbm4b:s3+s2], $0x80, v3, vm0, $0xb8;
	[tilespmem:$0x1C500] =	vst v63  }
0x28e: {  	v3 =	vld [tilespmem:$0x4010];
	_ =	sdelay $0x4  }
0x28f: {  	v49 =	vshll.u32 v3, $0x1  }
0x290: {  	v3 =	vand.u32 $0x7, v3;
	v4 =	vand.u32 $0xFFFFFFF0, v49  }
0x291: {  	v3 =	vor.u32 v3, v4  }
0x292: {  	v4 =	vperm.xlane v3, v0;
	_ =	sdelay $0x1  }
0x293: {  	v3 =	vperm.xlane v3, v2;
	v4 =	vadd.s32 v1, v4;
	_ =	sdelay $0x1  }
0x294: {  	v3 =	vadd.s32 v1, v3;
	_ =	sdelay $0x1  }
0x295: {  	s20 =	simm.s32 $0x5500  }
0x296: {  	[tilespmem:s20], [sflag:$0x1] =	stream.indirect_vreg.gather [hbm4b:s3+s2], $0x80, v4, vm0, $0xb8;
	[tilespmem:$0x1C500] =	vst v63  }
0x297: {  	_ = 	snop  }
0x298: {  	[tilespmem:s9], [sflag:$0x1] =	stream.indirect_vreg.gather [hbm4b:s3+s2], $0x80, v3, vm0, $0xb8;
	[tilespmem:$0x1C500] =	vst v63  }
0x299: {  	v3 =	vld [tilespmem:$0x4020];
	_ =	sdelay $0x4  }
0x29a: {  	v50 =	vshll.u32 v3, $0x1  }
0x29b: {  	v3 =	vand.u32 $0x7, v3;
	v4 =	vand.u32 $0xFFFFFFF0, v50  }
0x29c: {  	v3 =	vor.u32 v3, v4  }
0x29d: {  	v4 =	vperm.xlane v3, v0;
	_ =	sdelay $0x1  }
0x29e: {  	v3 =	vperm.xlane v3, v2;
	v4 =	vadd.s32 v1, v4;
	_ =	sdelay $0x1  }
0x29f: {  	v3 =	vadd.s32 v1, v3;
	_ =	sdelay $0x1  }
0x2a0: {  	s20 =	simm.s32 $0x6500  }
0x2a1: {  	[tilespmem:s20], [sflag:$0x1] =	stream.indirect_vreg.gather [hbm4b:s3+s2], $0x80, v4, vm0, $0xb8;
	[tilespmem:$0x1C500] =	vst v63  }
0x2a2: {  	s9 =	simm.s32 $0x6D00  }
0x2a3: {  	[tilespmem:s9], [sflag:$0x1] =	stream.indirect_vreg.gather [hbm4b:s3+s2], $0x80, v3, vm0, $0xb8;
	[tilespmem:$0x1C500] =	vst v63  }
0x2a4: {  	v3 =	vld [tilespmem:$0x4030];
	_ =	sdelay $0x4  }
0x2a5: {  	v51 =	vshll.u32 v3, $0x1  }
0x2a6: {  	v3 =	vand.u32 $0x7, v3;
	v4 =	vand.u32 $0xFFFFFFF0, v51  }
0x2a7: {  	v3 =	vor.u32 v3, v4  }
0x2a8: {  	v4 =	vperm.xlane v3, v0;
	_ =	sdelay $0x1  }
0x2a9: {  	v3 =	vperm.xlane v3, v2;
	v4 =	vadd.s32 v1, v4;
	_ =	sdelay $0x1  }
0x2aa: {  	v3 =	vadd.s32 v1, v3;
	_ =	sdelay $0x2  }
0x2ab: {  	[tilespmem:s25], [sflag:$0x1] =	stream.indirect_vreg.gather [hbm4b:s3+s2], $0x80, v4, vm0, $0xb8;
	[tilespmem:$0x1C500] =	vst v63  }
0x2ac: {  	s20 =	simm.s32 $0x7D00  }
0x2ad: {  	[tilespmem:s20], [sflag:$0x1] =	stream.indirect_vreg.gather [hbm4b:s3+s2], $0x80, v3, vm0, $0xb8;
	[tilespmem:$0x1C500] =	vst v63  }
0x2ae: {  	_ =	swait.ge [sflag:s13], $0x4000  }
0x2af: {  	[sflag:s13] =	ssyncset.done $0x0  }
0x2b0: {  	[sflag:s13] =	ssyncadd.s32 $0xFFFFC000  }
0x2b1: {  	v3 =	vld [tilespmem:$0x4100];
	_ =	sdelay $0x4  }
0x2b2: {  	v52 =	vshll.u32 v3, $0x1  }
0x2b3: {  	v3 =	vand.u32 $0x7, v3;
	v4 =	vand.u32 $0xFFFFFFF0, v52  }
0x2b4: {  	v3 =	vor.u32 v3, v4  }
0x2b5: {  	v4 =	vperm.xlane v3, v0;
	_ =	sdelay $0x1  }
0x2b6: {  	v3 =	vperm.xlane v3, v2;
	v4 =	vadd.s32 v1, v4;
	_ =	sdelay $0x1  }
0x2b7: {  	v3 =	vadd.s32 v1, v3;
	_ =	sdelay $0x1  }
0x2b8: {  	s25 =	simm.s32 $0x8500  }
0x2b9: {  	[tilespmem:s25], [sflag:$0x2] =	stream.indirect_vreg.gather [hbm4b:s3+s2], $0x80, v4, vm0, $0xb8;
	[tilespmem:$0x1C500] =	vst v63  }
0x2ba: {  	_ = 	snop  }
0x2bb: {  	[tilespmem:s28], [sflag:$0x2] =	stream.indirect_vreg.gather [hbm4b:s3+s2], $0x80, v3, vm0, $0xb8;
	[tilespmem:$0x1C500] =	vst v63  }
0x2bc: {  	v3 =	vld [tilespmem:$0x4110];
	_ =	sdelay $0x4  }
0x2bd: {  	v53 =	vshll.u32 v3, $0x1  }
0x2be: {  	v3 =	vand.u32 $0x7, v3;
	v4 =	vand.u32 $0xFFFFFFF0, v53  }
0x2bf: {  	v3 =	vor.u32 v3, v4  }
0x2c0: {  	v4 =	vperm.xlane v3, v0;
	_ =	sdelay $0x1  }
0x2c1: {  	v3 =	vperm.xlane v3, v2;
	v4 =	vadd.s32 v1, v4;
	_ =	sdelay $0x1  }
0x2c2: {  	v3 =	vadd.s32 v1, v3;
	_ =	sdelay $0x2  }
0x2c3: {  	[tilespmem:s7], [sflag:$0x2] =	stream.indirect_vreg.gather [hbm4b:s3+s2], $0x80, v4, vm0, $0xb8;
	[tilespmem:$0x1C500] =	vst v63  }
0x2c4: {  	_ = 	snop  }
0x2c5: {  	[tilespmem:s12], [sflag:$0x2] =	stream.indirect_vreg.gather [hbm4b:s3+s2], $0x80, v3, vm0, $0xb8;
	[tilespmem:$0x1C500] =	vst v63  }
0x2c6: {  	v3 =	vld [tilespmem:$0x4120];
	_ =	sdelay $0x4  }
0x2c7: {  	v54 =	vshll.u32 v3, $0x1  }
0x2c8: {  	v3 =	vand.u32 $0x7, v3;
	v4 =	vand.u32 $0xFFFFFFF0, v54  }
0x2c9: {  	v3 =	vor.u32 v3, v4  }
0x2ca: {  	v4 =	vperm.xlane v3, v0;
	_ =	sdelay $0x1  }
0x2cb: {  	v3 =	vperm.xlane v3, v2;
	v4 =	vadd.s32 v1, v4;
	_ =	sdelay $0x1  }
0x2cc: {  	v3 =	vadd.s32 v1, v3;
	_ =	sdelay $0x1  }
0x2cd: {  	s28 =	simm.s32 $0xA500  }
0x2ce: {  	[tilespmem:s28], [sflag:$0x2] =	stream.indirect_vreg.gather [hbm4b:s3+s2], $0x80, v4, vm0, $0xb8;
	[tilespmem:$0x1C500] =	vst v63  }
0x2cf: {  	s7 =	simm.s32 $0xAD00  }
0x2d0: {  	[tilespmem:s7], [sflag:$0x2] =	stream.indirect_vreg.gather [hbm4b:s3+s2], $0x80, v3, vm0, $0xb8;
	[tilespmem:$0x1C500] =	vst v63  }
0x2d1: {  	v3 =	vld [tilespmem:$0x4130];
	_ =	sdelay $0x4  }
0x2d2: {  	v55 =	vshll.u32 v3, $0x1  }
0x2d3: {  	v3 =	vand.u32 $0x7, v3;
	v4 =	vand.u32 $0xFFFFFFF0, v55  }
0x2d4: {  	v3 =	vor.u32 v3, v4  }
0x2d5: {  	v4 =	vperm.xlane v3, v0;
	_ =	sdelay $0x1  }
0x2d6: {  	v3 =	vperm.xlane v3, v2;
	v4 =	vadd.s32 v1, v4;
	_ =	sdelay $0x1  }
0x2d7: {  	v3 =	vadd.s32 v1, v3;
	_ =	sdelay $0x1  }
0x2d8: {  	s9 =	simm.s32 $0xB500  }
0x2d9: {  	[tilespmem:s9], [sflag:$0x2] =	stream.indirect_vreg.gather [hbm4b:s3+s2], $0x80, v4, vm0, $0xb8;
	[tilespmem:$0x1C500] =	vst v63  }
0x2da: {  	s20 =	simm.s32 $0xBD00  }
0x2db: {  	[tilespmem:s20], [sflag:$0x2] =	stream.indirect_vreg.gather [hbm4b:s3+s2], $0x80, v3, vm0, $0xb8;
	[tilespmem:$0x1C500] =	vst v63  }
0x2dc: {  	_ =	swait.ge [sflag:s14], $0x4000  }
0x2dd: {  	[sflag:s14] =	ssyncset.done $0x0  }
0x2de: {  	[sflag:s14] =	ssyncadd.s32 $0xFFFFC000  }
0x2df: {  	v3 =	vld [tilespmem:$0x4200];
	_ =	sdelay $0x4  }
0x2e0: {  	v56 =	vshll.u32 v3, $0x1  }
0x2e1: {  	v3 =	vand.u32 $0x7, v3;
	v4 =	vand.u32 $0xFFFFFFF0, v56  }
0x2e2: {  	v3 =	vor.u32 v3, v4  }
0x2e3: {  	v4 =	vperm.xlane v3, v0;
	_ =	sdelay $0x1  }
0x2e4: {  	v3 =	vperm.xlane v3, v2;
	v4 =	vadd.s32 v1, v4;
	_ =	sdelay $0x1  }
0x2e5: {  	v3 =	vadd.s32 v1, v3;
	_ =	sdelay $0x2  }
0x2e6: {  	[tilespmem:s6], [sflag:$0x3] =	stream.indirect_vreg.gather [hbm4b:s3+s2], $0x80, v4, vm0, $0xb8;
	[tilespmem:$0x1C500] =	vst v63  }
0x2e7: {  	_ = 	snop  }
0x2e8: {  	[tilespmem:s31], [sflag:$0x3] =	stream.indirect_vreg.gather [hbm4b:s3+s2], $0x80, v3, vm0, $0xb8;
	[tilespmem:$0x1C500] =	vst v63  }
0x2e9: {  	v3 =	vld [tilespmem:$0x4210];
	_ =	sdelay $0x4  }
0x2ea: {  	v57 =	vshll.u32 v3, $0x1  }
0x2eb: {  	v3 =	vand.u32 $0x7, v3;
	v4 =	vand.u32 $0xFFFFFFF0, v57  }
0x2ec: {  	v3 =	vor.u32 v3, v4  }
0x2ed: {  	v4 =	vperm.xlane v3, v0;
	_ =	sdelay $0x1  }
0x2ee: {  	v3 =	vperm.xlane v3, v2;
	v4 =	vadd.s32 v1, v4;
	_ =	sdelay $0x1  }
0x2ef: {  	v3 =	vadd.s32 v1, v3;
	_ =	sdelay $0x2  }
0x2f0: {  	[tilespmem:s5], [sflag:$0x3] =	stream.indirect_vreg.gather [hbm4b:s3+s2], $0x80, v4, vm0, $0xb8;
	[tilespmem:$0x1C500] =	vst v63  }
0x2f1: {  	_ = 	snop  }
0x2f2: {  	[tilespmem:s4], [sflag:$0x3] =	stream.indirect_vreg.gather [hbm4b:s3+s2], $0x80, v3, vm0, $0xb8;
	[tilespmem:$0x1C500] =	vst v63  }
0x2f3: {  	v3 =	vld [tilespmem:$0x4220];
	_ =	sdelay $0x4  }
0x2f4: {  	v58 =	vshll.u32 v3, $0x1  }
0x2f5: {  	v3 =	vand.u32 $0x7, v3;
	v4 =	vand.u32 $0xFFFFFFF0, v58  }
0x2f6: {  	v3 =	vor.u32 v3, v4  }
0x2f7: {  	v4 =	vperm.xlane v3, v0;
	_ =	sdelay $0x1  }
0x2f8: {  	v3 =	vperm.xlane v3, v2;
	v4 =	vadd.s32 v1, v4;
	_ =	sdelay $0x1  }
0x2f9: {  	v3 =	vadd.s32 v1, v3;
	_ =	sdelay $0x1  }
0x2fa: {  	s25 =	simm.s32 $0xE500  }
0x2fb: {  	[tilespmem:s25], [sflag:$0x3] =	stream.indirect_vreg.gather [hbm4b:s3+s2], $0x80, v4, vm0, $0xb8;
	[tilespmem:$0x1C500] =	vst v63  }
0x2fc: {  	s28 =	simm.s32 $0xED00  }
0x2fd: {  	[tilespmem:s28], [sflag:$0x3] =	stream.indirect_vreg.gather [hbm4b:s3+s2], $0x80, v3, vm0, $0xb8;
	[tilespmem:$0x1C500] =	vst v63  }
0x2fe: {  	v3 =	vld [tilespmem:$0x4230];
	_ =	sdelay $0x4  }
0x2ff: {  	v59 =	vshll.u32 v3, $0x1  }
0x300: {  	v3 =	vand.u32 $0x7, v3;
	v4 =	vand.u32 $0xFFFFFFF0, v59  }
0x301: {  	v3 =	vor.u32 v3, v4  }
0x302: {  	v4 =	vperm.xlane v3, v0;
	_ =	sdelay $0x1  }
0x303: {  	v3 =	vperm.xlane v3, v2;
	v4 =	vadd.s32 v1, v4;
	_ =	sdelay $0x1  }
0x304: {  	v3 =	vadd.s32 v1, v3;
	_ =	sdelay $0x2  }
0x305: {  	[tilespmem:s11], [sflag:$0x3] =	stream.indirect_vreg.gather [hbm4b:s3+s2], $0x80, v4, vm0, $0xb8;
	[tilespmem:$0x1C500] =	vst v63  }
0x306: {  	_ = 	snop  }
0x307: {  	[tilespmem:s23], [sflag:$0x3] =	stream.indirect_vreg.gather [hbm4b:s3+s2], $0x80, v3, vm0, $0xb8;
	[tilespmem:$0x1C500] =	vst v63  }
0x308: {  	_ =	swait.ge [sflag:s15], $0x4000  }
0x309: {  	[sflag:s15] =	ssyncset.done $0x0  }
0x30a: {  	[sflag:s15] =	ssyncadd.s32 $0xFFFFC000  }
0x30b: {  	v3 =	vld [tilespmem:$0x4300];
	_ =	sdelay $0x4  }
0x30c: {  	v60 =	vshll.u32 v3, $0x1  }
0x30d: {  	v3 =	vand.u32 $0x7, v3;
	v4 =	vand.u32 $0xFFFFFFF0, v60  }
0x30e: {  	v3 =	vor.u32 v3, v4  }
0x30f: {  	v4 =	vperm.xlane v3, v0;
	_ =	sdelay $0x1  }
0x310: {  	v3 =	vperm.xlane v3, v2;
	v4 =	vadd.s32 v1, v4;
	_ =	sdelay $0x1  }
0x311: {  	v3 =	vadd.s32 v1, v3;
	_ =	sdelay $0x2  }
0x312: {  	[tilespmem:s29], [sflag:$0x4] =	stream.indirect_vreg.gather [hbm4b:s3+s2], $0x80, v4, vm0, $0xb8;
	[tilespmem:$0x1C500] =	vst v63  }
0x313: {  	s29 =	simm.s32 $0x10D00  }
0x314: {  	[tilespmem:s29], [sflag:$0x4] =	stream.indirect_vreg.gather [hbm4b:s3+s2], $0x80, v3, vm0, $0xb8;
	[tilespmem:$0x1C500] =	vst v63  }
0x315: {  	v3 =	vld [tilespmem:$0x4310];
	_ =	sdelay $0x4  }
0x316: {  	v61 =	vshll.u32 v3, $0x1  }
0x317: {  	v3 =	vand.u32 $0x7, v3;
	v4 =	vand.u32 $0xFFFFFFF0, v61  }
0x318: {  	v3 =	vor.u32 v3, v4  }
0x319: {  	v4 =	vperm.xlane v3, v0;
	_ =	sdelay $0x1  }
0x31a: {  	v3 =	vperm.xlane v3, v2;
	v4 =	vadd.s32 v1, v4;
	_ =	sdelay $0x1  }
0x31b: {  	v3 =	vadd.s32 v1, v3;
	_ =	sdelay $0x2  }
0x31c: {  	[tilespmem:s1], [sflag:$0x4] =	stream.indirect_vreg.gather [hbm4b:s3+s2], $0x80, v4, vm0, $0xb8;
	[tilespmem:$0x1C500] =	vst v63  }
0x31d: {  	_ = 	snop  }
0x31e: {  	[tilespmem:s10], [sflag:$0x4] =	stream.indirect_vreg.gather [hbm4b:s3+s2], $0x80, v3, vm0, $0xb8;
	[tilespmem:$0x1C500] =	vst v63  }
0x31f: {  	v3 =	vld [tilespmem:$0x4320];
	_ =	sdelay $0x4  }
0x320: {  	v62 =	vshll.u32 v3, $0x1  }
0x321: {  	v3 =	vand.u32 $0x7, v3;
	v4 =	vand.u32 $0xFFFFFFF0, v62  }
0x322: {  	v3 =	vor.u32 v3, v4  }
0x323: {  	v4 =	vperm.xlane v3, v0;
	_ =	sdelay $0x1  }
0x324: {  	v3 =	vperm.xlane v3, v2;
	v4 =	vadd.s32 v1, v4;
	_ =	sdelay $0x1  }
0x325: {  	v3 =	vadd.s32 v1, v3;
	_ =	sdelay $0x2  }
0x326: {  	[tilespmem:s26], [sflag:$0x4] =	stream.indirect_vreg.gather [hbm4b:s3+s2], $0x80, v4, vm0, $0xb8;
	[tilespmem:$0x1C500] =	vst v63  }
0x327: {  	_ = 	snop  }
0x328: {  	[tilespmem:s30], [sflag:$0x4] =	stream.indirect_vreg.gather [hbm4b:s3+s2], $0x80, v3, vm0, $0xb8;
	[tilespmem:$0x1C500] =	vst v63  }
0x329: {  	v3 =	vld [tilespmem:$0x4330];
	_ =	sdelay $0x4  }
0x32a: {  	v63 =	vshll.u32 v3, $0x1  }
0x32b: {  	v3 =	vand.u32 $0x7, v3;
	v4 =	vand.u32 $0xFFFFFFF0, v63  }
0x32c: {  	v3 =	vor.u32 v3, v4  }
0x32d: {  	v4 =	vperm.xlane v3, v0;
	_ =	sdelay $0x1  }
0x32e: {  	v4 =	vadd.s32 v1, v4  }
0x32f: {  	v3 =	vperm.xlane v3, v2;
	_ =	sdelay $0x1  }
0x330: {  	s19 =	sadd.s32 $0x1000, s19;
	v3 =	vadd.s32 v1, v3  }
0x331: {  	p0 =	sne.s32 s19, $0x100000  }
0x332: {  	[tilespmem:s24], [sflag:$0x4] =	stream.indirect_vreg.gather [hbm4b:s3+s2], $0x80, v4, vm0, $0xb8;
	[tilespmem:$0x1C500] =	vst v63  }
.Ltmp0:
0x333: {  	_ = 	snop;
	(pc) =	sbr.rel @p0 .LBB2_2-.Ltmp0, $4  }
0x334: {  	s17 =	sadd.s32 $0x20, s17;
	s18 =	sadd.s32 $0x20, s18  }
0x335: {  	[tilespmem:s8], [sflag:$0x4] =	stream.indirect_vreg.gather [hbm4b:s3+s2], $0x80, v3, vm0, $0xb8;
	[tilespmem:$0x1C500] =	vst v63  }
0x336: {  	s21 =	sadd.s32 $0x800, s21;
	s16 =	sadd.s32 $0x20, s16;
	s31 =	rddreg [dreg:$0x5]  }
0x337: {  	[hbm4b:s21+s2] =	stream.linear.scatter [tilespmem:s31], [sflag:$0x5], $0x4000, $0x38;
	[tilespmem:$0x1C500] =	vst v63  }
0x338: {  	s0 =	simm.s32 $0x1  }
0x339: {  	_ =	swait.ge [sflag:s0], $0x4000  }
0x33a: {  	[sflag:s0] =	ssyncset.done $0x0  }
0x33b: {  	[sflag:s0] =	ssyncadd.s32 $0xFFFFC000  }
0x33c: {  	_ =	swait.ge [sflag:s0], $0x4000  }
0x33d: {  	[sflag:s0] =	ssyncset.done $0x0  }
0x33e: {  	s23 =	simm.s32 $0x2;
	[sflag:s0] =	ssyncadd.s32 $0xFFFFC000  }
0x33f: {  	_ =	swait.ge [sflag:s23], $0x4000  }
0x340: {  	[sflag:s23] =	ssyncset.done $0x0  }
0x341: {  	[sflag:s23] =	ssyncadd.s32 $0xFFFFC000  }
0x342: {  	_ =	swait.ge [sflag:s23], $0x4000  }
0x343: {  	[sflag:s23] =	ssyncset.done $0x0  }
0x344: {  	s24 =	simm.s32 $0x3;
	[sflag:s23] =	ssyncadd.s32 $0xFFFFC000  }
0x345: {  	_ =	swait.ge [sflag:s24], $0x4000  }
0x346: {  	[sflag:s24] =	ssyncset.done $0x0  }
0x347: {  	[sflag:s24] =	ssyncadd.s32 $0xFFFFC000  }
0x348: {  	_ =	swait.ge [sflag:s24], $0x4000  }
0x349: {  	[sflag:s24] =	ssyncset.done $0x0  }
0x34a: {  	s25 =	simm.s32 $0x4;
	[sflag:s24] =	ssyncadd.s32 $0xFFFFC000  }
0x34b: {  	_ =	swait.ge [sflag:s25], $0x4000  }
0x34c: {  	[sflag:s25] =	ssyncset.done $0x0  }
0x34d: {  	[sflag:s25] =	ssyncadd.s32 $0xFFFFC000  }
0x34e: {  	_ =	swait.ge [sflag:s25], $0x4000  }
0x34f: {  	[sflag:s25] =	ssyncset.done $0x0  }
0x350: {  	s26 =	simm.s32 $0x5;
	[sflag:s25] =	ssyncadd.s32 $0xFFFFC000  }
0x351: {  	_ =	swait.ge [sflag:s26], $0x4000  }
0x352: {  	[sflag:s26] =	ssyncset.done $0x0  }
0x353: {  	s19 =	simm.s32 $0x4D00;
	s20 =	simm.s32 $0x5500;
	[sflag:s26] =	ssyncadd.s32 $0xFFFFC000  }
0x354: {  	s21 =	simm.s32 $0x5D00;
	s28 =	simm.s32 $0x8500;
	_ =	swait.ge [sflag:s26], $0x4000  }
0x355: {  	s1 =	simm.s32 $0x8D00;
	s29 =	simm.s32 $0x9500;
	s17 =	rddreg [dreg:$0x9]  }
0x356: {  	s8 =	simm.s32 $0x9D00;
	s16 =	rddreg [dreg:$0x8];
	s17 =	sadd.s32 $0x1, s17  }
0x357: {  	s4 =	simm.s32 $0xA500;
	s5 =	simm.s32 $0xAD00;
	p0 =	sne.s32 s17, s16  }
.Ltmp1:
0x358: {  	s6 =	simm.s32 $0xB500;
	s7 =	simm.s32 $0xBD00;
	(pc) =	sbr.rel @p0 .LBB2_1-.Ltmp1, $4  }
0x359: {  	s9 =	simm.s32 $0xCD00;
	s10 =	simm.s32 $0xD500;
	s11 =	simm.s32 $0xDD00  }
0x35a: {  	s30 =	simm.s32 $0xE500;
	s31 =	simm.s32 $0xED00;
	s0 =	simm.s32 $0xC500  }
0x35b: {  	s23 =	simm.s32 $0x6500;
	s24 =	simm.s32 $0x6D00;
	[sflag:s26] =	ssyncset.done $0x0  }
0x35c: {  	s25 =	simm.s32 $0x7500;
	[sflag:s26] =	ssyncadd.s32 $0xFFFFC000;
	s26 =	simm.s32 $0x7D00  }
0x35d: {  	_ =	sfence.sel $0x180000  }
0x35e: {  	[bflag:$0x0] =	sbarrier.arrive $0xFFFF  }
0x35f: {  	_ =	strace $0x90000047  }
0x360: {  	s0 =	stileid.u32;
	[bflag:$0x2] =	sbarrier.arrive $0xFFFF  }
0x361: {  	p0 =	sne.s32 s0, $0x0;
	s0 =	rddreg [dreg:$0x2]  }
0x362: {  	s0 =	sadd.s32 @!p0 $0x100000, s0  }
0x363: {  	[sflag:s0] =	ssyncadd.tile.s32 @!p0 $0x1;
	_ =	shalt  }
.Lfunc_end2:
_tile_overlayer_lowered:
.L_overlay_start_2:
0x364: {  	(tag) =	ssettag $0x2  }
0x365: {  	s0 =	rddreg [dreg:$0x0];
	s2 =	stileid.u32  }
0x366: {  	s1 =	rddreg [dreg:$0x1];
	p0 =	sne.s32 s2, $0x0  }
0x367: {  	s3 =	rddreg [dreg:$0x2];
	[bflag:$0x3] =	sbarrier.arrive $0xFFFF;
	s2 =	simm.s32 @!p0 $0x1C06  }
0x368: {  	[timem:s3], [sflag:s2] =	dma.local @!p0 [hbm:s0], s1  }
0x369: {  	s0 =	simm.s32 @!p0 $0x6  }
0x36a: {  	_ =	swait.ge @!p0 [sflag:s0], s1  }
0x36b: {  	s1 =	ssub.s32 @!p0 $0x0, s1;
	[sflag:s0] =	ssyncset.done @!p0 $0x0  }
0x36c: {  	[sflag:s0] =	ssyncadd.s32 @!p0 s1  }
0x36d: {  	[bflag:$0x3] =	sbarrier.arrive $0xFFFF  }
0x36e: {  	_ =	shalt  }

</sc_bundles>
